<compile_context>
chip_gen: v7x
topology: tpu7x:2x2x1
jax: 0.10.2.dev20260603
libtpu: 0.0.44.dev20260713+nightly
codegen_flags: <defaults>
</compile_context>

<pallas_src>
import functools

import jax
import jax.numpy as jnp
from jax import lax
from jax.experimental import pallas as pl
from jax.experimental.pallas import tpu as pltpu
from jax.experimental.pallas import tpu_sc as plsc


def _positional_table(seq_len, dim):
    even_i = jnp.arange(0, dim, 2).astype(jnp.float32)
    denominator = jnp.power(10000.0, even_i / dim)
    position = jnp.arange(seq_len, dtype=jnp.float32).reshape(seq_len, 1)
    even_pe = jnp.sin(position / denominator)
    odd_pe = jnp.cos(position / denominator)
    return jnp.stack([even_pe, odd_pe], axis=2).reshape(seq_len, dim)


def kernel(x, embedding):
    batch, seq = x.shape
    vocab, dim = embedding.shape

    info = plsc.get_sparse_core_info()
    num_workers = info.num_cores * info.num_subcores

    rows_per_chunk = 2
    chunk = rows_per_chunk * seq
    per_worker = batch // num_workers
    n_chunks = per_worker // rows_per_chunk
    n_pairs = n_chunks // 2

    splits = []
    off = 0
    while off < seq:
        size = min(128, seq - off)
        splits.append((off, size))
        off += size

    xi = x.astype(jnp.int32)
    pe1 = _positional_table(seq, dim).reshape(seq * dim)

    mesh = plsc.VectorSubcoreMesh(core_axis_name="c", subcore_axis_name="s")

    @functools.partial(
        pl.kernel,
        mesh=mesh,
        out_type=jax.ShapeDtypeStruct((batch, seq, dim), jnp.float32),
        compiler_params=pltpu.CompilerParams(use_tc_tiling_on_sc=False),
        scratch_types=[
            pltpu.VMEM((rows_per_chunk, seq), jnp.int32),
            pltpu.VMEM((rows_per_chunk, seq), jnp.int32),
            pltpu.VMEM((rows_per_chunk, seq, dim), jnp.float32),
            pltpu.VMEM((rows_per_chunk, seq, dim), jnp.float32),
            pltpu.VMEM((seq * dim,), jnp.float32),
            pltpu.SemaphoreType.DMA,
            pltpu.SemaphoreType.DMA,
            pltpu.SemaphoreType.DMA,
            pltpu.SemaphoreType.DMA,
        ],
    )
    def sc_kernel(xi_hbm, emb_hbm, pe_hbm, out_hbm,
                  idx0, idx1, rows0, rows1, pe_v,
                  semg0, semg1, sems0, sems1):
        cid = lax.axis_index("c")
        sid = lax.axis_index("s")
        wid = sid * info.num_cores + cid
        pltpu.sync_copy(pe_hbm, pe_v)
        row_base = wid * per_worker

        def load_idx(ch, idx_v):
            pltpu.sync_copy(
                xi_hbm.at[pl.ds(row_base + ch * rows_per_chunk, rows_per_chunk)],
                idx_v,
            )

        def gather_copies(idx_v, rows_v, semg):
            return [
                pltpu.make_async_copy(
                    emb_hbm.at[idx_v.at[i, pl.ds(off, size)]],
                    rows_v.at[i, pl.ds(off, size)],
                    semg,
                )
                for i in range(rows_per_chunk)
                for off, size in splits
            ]

        def add_pe(rows_v):
            for i in range(rows_per_chunk):
                @plsc.parallel_loop(0, seq, unroll=4)
                def _(r):
                    for dg in range(dim // 16):
                        sl = pl.ds(dg * 16, 16)
                        rows_v[i, r, sl] = rows_v[i, r, sl] + pe_v[
                            pl.ds(r * dim + dg * 16, 16)
                        ]

        def store_copy(ch, rows_v, sems):
            return pltpu.make_async_copy(
                rows_v,
                out_hbm.at[pl.ds(row_base + ch * rows_per_chunk, rows_per_chunk)],
                sems,
            )

        load_idx(0, idx0)
        for cp in gather_copies(idx0, rows0, semg0):
            cp.start()
        load_idx(1, idx1)
        for cp in gather_copies(idx1, rows1, semg1):
            cp.start()

        def pair_body(p, carry):
            ch_a = 2 * p
            ch_b = ch_a + 1
            for cp in gather_copies(idx0, rows0, semg0):
                cp.wait()
            add_pe(rows0)
            store_copy(ch_a, rows0, sems0).start()
            for cp in gather_copies(idx1, rows1, semg1):
                cp.wait()
            add_pe(rows1)
            store_copy(ch_b, rows1, sems1).start()
            store_copy(ch_a, rows0, sems0).wait()

            @pl.when(p < n_pairs - 1)
            def _():
                load_idx(ch_a + 2, idx0)
                for cp in gather_copies(idx0, rows0, semg0):
                    cp.start()

            store_copy(ch_b, rows1, sems1).wait()

            @pl.when(p < n_pairs - 1)
            def _():
                load_idx(ch_b + 2, idx1)
                for cp in gather_copies(idx1, rows1, semg1):
                    cp.start()

            return carry

        lax.fori_loop(0, n_pairs, pair_body, 0)

    return sc_kernel(xi, embedding, pe1)

# --- scband reference (transcript-rebuilt; emitter-appended) ---
"""Pipeline reference for scband-positional-embedding-17712445129498 (READ-ONLY COPY).

The authoritative reference and input builder live on the scoring server;
editing this copy changes nothing except your own understanding.
"""

import jax, jax.numpy as jnp
import numpy as np

VOCAB = 1000000
EMBED_DIM = 64
PADDING_IDX = 0


def _pos(max_sequence_length, embedding_dim):
    even_i = jnp.arange(0, embedding_dim, 2).astype(jnp.float32)
    denominator = jnp.power(10000.0, even_i / embedding_dim)
    position = jnp.arange(max_sequence_length, dtype=jnp.float32).reshape(max_sequence_length, 1)
    even_PE = jnp.sin(position / denominator)
    odd_PE = jnp.cos(position / denominator)
    stacked = jnp.stack([even_PE, odd_PE], axis=2)
    PE = stacked.reshape(max_sequence_length, embedding_dim)
    return PE


def setup_inputs(seed: int = 0) -> dict:
    key = jax.random.key(seed)
    k1, k2 = jax.random.split(key)
    x = jax.random.randint(k1, (4096, 200), 0, VOCAB, dtype=jnp.int64)
    embedding = jax.random.normal(k2, (VOCAB, EMBED_DIM), dtype=jnp.float32)
    embedding = embedding.at[PADDING_IDX].set(0.0)
    return {"x": x, "embedding": embedding}


def reference(x, embedding):
    # Embedding lookup (gather)
    e = jnp.take(embedding, x, axis=0)
    # Sinusoidal positional encoding added along sequence dim
    pe = _pos(x.shape[1], embedding.shape[1])
    out = e + pe[None, :, :]
    # Dropout is identity in eval mode
    return out

if __name__ == "__main__":
    import jax
    _d = setup_inputs()
    print(jax.jit(kernel)(*tuple(_d.values())))

</pallas_src>

<mosaic_0001>
#map = affine_map<(d0, d1) -> (0, 0)>
#map1 = affine_map<(d0, d1) -> (0)>
#map2 = affine_map<(d0, d1) -> (0, 0, 0)>
module attributes {stable_mosaic.version = 14 : i64} {
  func.func @sc_kernel(%arg0: i32, %arg1: i32, %arg2: memref<4096x200xi32, #tpu.memory_space<hbm>>, %arg3: memref<1000000x64xf32, #tpu.memory_space<hbm>>, %arg4: memref<12800xf32, #tpu.memory_space<hbm>>, %arg5: memref<4096x200x64xf32, #tpu.memory_space<hbm>>, %arg6: memref<2x200xi32, #tpu.memory_space<vmem>>, %arg7: memref<2x200xi32, #tpu.memory_space<vmem>>, %arg8: memref<2x200x64xf32, #tpu.memory_space<vmem>>, %arg9: memref<2x200x64xf32, #tpu.memory_space<vmem>>, %arg10: memref<12800xf32, #tpu.memory_space<vmem>>, %arg11: memref<!tpu.dma_semaphore, #tpu.memory_space<semaphore_mem>>, %arg12: memref<!tpu.dma_semaphore, #tpu.memory_space<semaphore_mem>>, %arg13: memref<!tpu.dma_semaphore, #tpu.memory_space<semaphore_mem>>, %arg14: memref<!tpu.dma_semaphore, #tpu.memory_space<semaphore_mem>>) attributes {dimension_semantics = [#tpu.dimension_semantics<core_parallel>, #tpu.dimension_semantics<subcore_parallel>], iteration_bounds = array<i64: 2, 16>, scalar_prefetch = 0 : i64, scratch_operands = 9 : i64, tpu.core_type = #tpu.core_type<sc_vector_subcore>, window_params = [{transform_indices = #map}, {transform_indices = #map}, {transform_indices = #map1}, {transform_indices = #map2}]} {
    %mul3A = arith.constant 2 : i32
    %mul3A_0 = arith.muli %arg1, %mul3A : i32
    %add3A = arith.addi %mul3A_0, %arg0 : i32
    "tpu.region"() ({
      %run_scoped3A = tpu.sem_alloc : memref<!tpu.dma_semaphore, #tpu.memory_space<semaphore_mem>>
      tpu.enqueue_dma source(%arg4 : memref<12800xf32, #tpu.memory_space<hbm>>) target(%arg10 : memref<12800xf32, #tpu.memory_space<vmem>>) target_semaphore(%run_scoped3A : memref<!tpu.dma_semaphore, #tpu.memory_space<semaphore_mem>>)
      tpu.wait_dma2 semaphore(%run_scoped3A : memref<!tpu.dma_semaphore, #tpu.memory_space<semaphore_mem>>) src(%arg4 : memref<12800xf32, #tpu.memory_space<hbm>>) dst(%arg10 : memref<12800xf32, #tpu.memory_space<vmem>>)
      tpu.yield
    }) : () -> ()
    %mul3A_1 = arith.constant 128 : i32
    %mul3A_2 = arith.muli %add3A, %mul3A_1 : i32
    %add3A_3 = arith.constant 0 : i32
    %add3A_4 = arith.addi %mul3A_2, %add3A_3 : i32
    "tpu.region"() ({
      %run_scoped3A = tpu.sem_alloc : memref<!tpu.dma_semaphore, #tpu.memory_space<semaphore_mem>>
      %dma_start3A_107 = arith.constant 0 : i32
      %dma_start3A_108 = tpu.memref_slice %arg2[%add3A_4, %dma_start3A_107] : memref<4096x200xi32, #tpu.memory_space<hbm>> -> memref<2x200xi32, #tpu.memory_space<hbm>>
      %dma_start3A_109 = arith.constant 0 : i32
      %dma_start3A_110 = tpu.memref_slice %arg2[%add3A_4, %dma_start3A_109] : memref<4096x200xi32, #tpu.memory_space<hbm>> -> memref<2x200xi32, #tpu.memory_space<hbm>>
      tpu.enqueue_dma source(%dma_start3A_110 : memref<2x200xi32, #tpu.memory_space<hbm>>) target(%arg6 : memref<2x200xi32, #tpu.memory_space<vmem>>) target_semaphore(%run_scoped3A : memref<!tpu.dma_semaphore, #tpu.memory_space<semaphore_mem>>)
      %dma_wait3A = arith.constant 0 : i32
      %dma_wait3A_111 = tpu.memref_slice %arg2[%add3A_4, %dma_wait3A] : memref<4096x200xi32, #tpu.memory_space<hbm>> -> memref<2x200xi32, #tpu.memory_space<hbm>>
      %dma_wait3A_112 = arith.constant 0 : i32
      %dma_wait3A_113 = tpu.memref_slice %arg2[%add3A_4, %dma_wait3A_112] : memref<4096x200xi32, #tpu.memory_space<hbm>> -> memref<2x200xi32, #tpu.memory_space<hbm>>
      tpu.wait_dma2 semaphore(%run_scoped3A : memref<!tpu.dma_semaphore, #tpu.memory_space<semaphore_mem>>) src(%dma_wait3A_113 : memref<2x200xi32, #tpu.memory_space<hbm>>) dst(%arg6 : memref<2x200xi32, #tpu.memory_space<vmem>>)
      tpu.yield
    }) : () -> ()
    %dma_start3A = arith.constant 0 : i32
    %dma_start3A_5 = arith.constant 0 : i32
    %dma_start3A_6 = arith.constant 0 : i32
    %dma_start3A_7 = arith.constant 0 : i32
    %dma_start3A_8 = tpu.memref_slice %arg8[%dma_start3A_5, %dma_start3A_6, %dma_start3A_7] : memref<2x200x64xf32, #tpu.memory_space<vmem>> -> memref<1x128x64xf32, #tpu.memory_space<vmem>>
    %dma_start3A_9 = tpu.memref_squeeze %dma_start3A_8 : memref<1x128x64xf32, #tpu.memory_space<vmem>> -> memref<128x64xf32, #tpu.memory_space<vmem>>
    %dma_start3A_10 = arith.constant 0 : i32
    %dma_start3A_11 = tpu.memref_slice %arg6[%dma_start3A, %dma_start3A_10] : memref<2x200xi32, #tpu.memory_space<vmem>> -> memref<1x128xi32, #tpu.memory_space<vmem>>
    %dma_start3A_12 = tpu.memref_squeeze %dma_start3A_11 : memref<1x128xi32, #tpu.memory_space<vmem>> -> memref<128xi32, #tpu.memory_space<vmem>>
    %dma_start3A_13 = arith.constant 0 : i32
    %dma_start3A_14 = arith.constant 0 : i32
    %dma_start3A_15 = tpu.memref_slice %arg3[%dma_start3A_13, %dma_start3A_14] : memref<1000000x64xf32, #tpu.memory_space<hbm>> -> memref<1000000x64xf32, #tpu.memory_space<hbm>>
    tpu.enqueue_indirect_dma source(%dma_start3A_15 : memref<1000000x64xf32, #tpu.memory_space<hbm>>) target(%dma_start3A_9 : memref<128x64xf32, #tpu.memory_space<vmem>>) offsets(%dma_start3A_12 : memref<128xi32, #tpu.memory_space<vmem>>) semaphore(%arg11 : memref<!tpu.dma_semaphore, #tpu.memory_space<semaphore_mem>>)
    %dma_start3A_16 = arith.constant 0 : i32
    %dma_start3A_17 = arith.constant 0 : i32
    %dma_start3A_18 = arith.constant 128 : i32
    %dma_start3A_19 = arith.constant 0 : i32
    %dma_start3A_20 = tpu.memref_slice %arg8[%dma_start3A_17, %dma_start3A_18, %dma_start3A_19] : memref<2x200x64xf32, #tpu.memory_space<vmem>> -> memref<1x72x64xf32, #tpu.memory_space<vmem>>
    %dma_start3A_21 = tpu.memref_squeeze %dma_start3A_20 : memref<1x72x64xf32, #tpu.memory_space<vmem>> -> memref<72x64xf32, #tpu.memory_space<vmem>>
    %dma_start3A_22 = arith.constant 128 : i32
    %dma_start3A_23 = tpu.memref_slice %arg6[%dma_start3A_16, %dma_start3A_22] : memref<2x200xi32, #tpu.memory_space<vmem>> -> memref<1x72xi32, #tpu.memory_space<vmem>>
    %dma_start3A_24 = tpu.memref_squeeze %dma_start3A_23 : memref<1x72xi32, #tpu.memory_space<vmem>> -> memref<72xi32, #tpu.memory_space<vmem>>
    %dma_start3A_25 = arith.constant 0 : i32
    %dma_start3A_26 = arith.constant 0 : i32
    %dma_start3A_27 = tpu.memref_slice %arg3[%dma_start3A_25, %dma_start3A_26] : memref<1000000x64xf32, #tpu.memory_space<hbm>> -> memref<1000000x64xf32, #tpu.memory_space<hbm>>
    tpu.enqueue_indirect_dma source(%dma_start3A_27 : memref<1000000x64xf32, #tpu.memory_space<hbm>>) target(%dma_start3A_21 : memref<72x64xf32, #tpu.memory_space<vmem>>) offsets(%dma_start3A_24 : memref<72xi32, #tpu.memory_space<vmem>>) semaphore(%arg11 : memref<!tpu.dma_semaphore, #tpu.memory_space<semaphore_mem>>)
    %dma_start3A_28 = arith.constant 1 : i32
    %dma_start3A_29 = arith.constant 1 : i32
    %dma_start3A_30 = arith.constant 0 : i32
    %dma_start3A_31 = arith.constant 0 : i32
    %dma_start3A_32 = tpu.memref_slice %arg8[%dma_start3A_29, %dma_start3A_30, %dma_start3A_31] : memref<2x200x64xf32, #tpu.memory_space<vmem>> -> memref<1x128x64xf32, #tpu.memory_space<vmem>>
    %dma_start3A_33 = tpu.memref_squeeze %dma_start3A_32 : memref<1x128x64xf32, #tpu.memory_space<vmem>> -> memref<128x64xf32, #tpu.memory_space<vmem>>
    %dma_start3A_34 = arith.constant 0 : i32
    %dma_start3A_35 = tpu.memref_slice %arg6[%dma_start3A_28, %dma_start3A_34] : memref<2x200xi32, #tpu.memory_space<vmem>> -> memref<1x128xi32, #tpu.memory_space<vmem>>
    %dma_start3A_36 = tpu.memref_squeeze %dma_start3A_35 : memref<1x128xi32, #tpu.memory_space<vmem>> -> memref<128xi32, #tpu.memory_space<vmem>>
    %dma_start3A_37 = arith.constant 0 : i32
    %dma_start3A_38 = arith.constant 0 : i32
    %dma_start3A_39 = tpu.memref_slice %arg3[%dma_start3A_37, %dma_start3A_38] : memref<1000000x64xf32, #tpu.memory_space<hbm>> -> memref<1000000x64xf32, #tpu.memory_space<hbm>>
    tpu.enqueue_indirect_dma source(%dma_start3A_39 : memref<1000000x64xf32, #tpu.memory_space<hbm>>) target(%dma_start3A_33 : memref<128x64xf32, #tpu.memory_space<vmem>>) offsets(%dma_start3A_36 : memref<128xi32, #tpu.memory_space<vmem>>) semaphore(%arg11 : memref<!tpu.dma_semaphore, #tpu.memory_space<semaphore_mem>>)
    %dma_start3A_40 = arith.constant 1 : i32
    %dma_start3A_41 = arith.constant 1 : i32
    %dma_start3A_42 = arith.constant 128 : i32
    %dma_start3A_43 = arith.constant 0 : i32
    %dma_start3A_44 = tpu.memref_slice %arg8[%dma_start3A_41, %dma_start3A_42, %dma_start3A_43] : memref<2x200x64xf32, #tpu.memory_space<vmem>> -> memref<1x72x64xf32, #tpu.memory_space<vmem>>
    %dma_start3A_45 = tpu.memref_squeeze %dma_start3A_44 : memref<1x72x64xf32, #tpu.memory_space<vmem>> -> memref<72x64xf32, #tpu.memory_space<vmem>>
    %dma_start3A_46 = arith.constant 128 : i32
    %dma_start3A_47 = tpu.memref_slice %arg6[%dma_start3A_40, %dma_start3A_46] : memref<2x200xi32, #tpu.memory_space<vmem>> -> memref<1x72xi32, #tpu.memory_space<vmem>>
    %dma_start3A_48 = tpu.memref_squeeze %dma_start3A_47 : memref<1x72xi32, #tpu.memory_space<vmem>> -> memref<72xi32, #tpu.memory_space<vmem>>
    %dma_start3A_49 = arith.constant 0 : i32
    %dma_start3A_50 = arith.constant 0 : i32
    %dma_start3A_51 = tpu.memref_slice %arg3[%dma_start3A_49, %dma_start3A_50] : memref<1000000x64xf32, #tpu.memory_space<hbm>> -> memref<1000000x64xf32, #tpu.memory_space<hbm>>
    tpu.enqueue_indirect_dma source(%dma_start3A_51 : memref<1000000x64xf32, #tpu.memory_space<hbm>>) target(%dma_start3A_45 : memref<72x64xf32, #tpu.memory_space<vmem>>) offsets(%dma_start3A_48 : memref<72xi32, #tpu.memory_space<vmem>>) semaphore(%arg11 : memref<!tpu.dma_semaphore, #tpu.memory_space<semaphore_mem>>)
    %add3A_52 = arith.constant 2 : i32
    %add3A_53 = arith.addi %mul3A_2, %add3A_52 : i32
    "tpu.region"() ({
      %run_scoped3A = tpu.sem_alloc : memref<!tpu.dma_semaphore, #tpu.memory_space<semaphore_mem>>
      %dma_start3A_107 = arith.constant 0 : i32
      %dma_start3A_108 = tpu.memref_slice %arg2[%add3A_53, %dma_start3A_107] : memref<4096x200xi32, #tpu.memory_space<hbm>> -> memref<2x200xi32, #tpu.memory_space<hbm>>
      %dma_start3A_109 = arith.constant 0 : i32
      %dma_start3A_110 = tpu.memref_slice %arg2[%add3A_53, %dma_start3A_109] : memref<4096x200xi32, #tpu.memory_space<hbm>> -> memref<2x200xi32, #tpu.memory_space<hbm>>
      tpu.enqueue_dma source(%dma_start3A_110 : memref<2x200xi32, #tpu.memory_space<hbm>>) target(%arg7 : memref<2x200xi32, #tpu.memory_space<vmem>>) target_semaphore(%run_scoped3A : memref<!tpu.dma_semaphore, #tpu.memory_space<semaphore_mem>>)
      %dma_wait3A = arith.constant 0 : i32
      %dma_wait3A_111 = tpu.memref_slice %arg2[%add3A_53, %dma_wait3A] : memref<4096x200xi32, #tpu.memory_space<hbm>> -> memref<2x200xi32, #tpu.memory_space<hbm>>
      %dma_wait3A_112 = arith.constant 0 : i32
      %dma_wait3A_113 = tpu.memref_slice %arg2[%add3A_53, %dma_wait3A_112] : memref<4096x200xi32, #tpu.memory_space<hbm>> -> memref<2x200xi32, #tpu.memory_space<hbm>>
      tpu.wait_dma2 semaphore(%run_scoped3A : memref<!tpu.dma_semaphore, #tpu.memory_space<semaphore_mem>>) src(%dma_wait3A_113 : memref<2x200xi32, #tpu.memory_space<hbm>>) dst(%arg7 : memref<2x200xi32, #tpu.memory_space<vmem>>)
      tpu.yield
    }) : () -> ()
    %dma_start3A_54 = arith.constant 0 : i32
    %dma_start3A_55 = arith.constant 0 : i32
    %dma_start3A_56 = arith.constant 0 : i32
    %dma_start3A_57 = arith.constant 0 : i32
    %dma_start3A_58 = tpu.memref_slice %arg9[%dma_start3A_55, %dma_start3A_56, %dma_start3A_57] : memref<2x200x64xf32, #tpu.memory_space<vmem>> -> memref<1x128x64xf32, #tpu.memory_space<vmem>>
    %dma_start3A_59 = tpu.memref_squeeze %dma_start3A_58 : memref<1x128x64xf32, #tpu.memory_space<vmem>> -> memref<128x64xf32, #tpu.memory_space<vmem>>
    %dma_start3A_60 = arith.constant 0 : i32
    %dma_start3A_61 = tpu.memref_slice %arg7[%dma_start3A_54, %dma_start3A_60] : memref<2x200xi32, #tpu.memory_space<vmem>> -> memref<1x128xi32, #tpu.memory_space<vmem>>
    %dma_start3A_62 = tpu.memref_squeeze %dma_start3A_61 : memref<1x128xi32, #tpu.memory_space<vmem>> -> memref<128xi32, #tpu.memory_space<vmem>>
    %dma_start3A_63 = arith.constant 0 : i32
    %dma_start3A_64 = arith.constant 0 : i32
    %dma_start3A_65 = tpu.memref_slice %arg3[%dma_start3A_63, %dma_start3A_64] : memref<1000000x64xf32, #tpu.memory_space<hbm>> -> memref<1000000x64xf32, #tpu.memory_space<hbm>>
    tpu.enqueue_indirect_dma source(%dma_start3A_65 : memref<1000000x64xf32, #tpu.memory_space<hbm>>) target(%dma_start3A_59 : memref<128x64xf32, #tpu.memory_space<vmem>>) offsets(%dma_start3A_62 : memref<128xi32, #tpu.memory_space<vmem>>) semaphore(%arg12 : memref<!tpu.dma_semaphore, #tpu.memory_space<semaphore_mem>>)
    %dma_start3A_66 = arith.constant 0 : i32
    %dma_start3A_67 = arith.constant 0 : i32
    %dma_start3A_68 = arith.constant 128 : i32
    %dma_start3A_69 = arith.constant 0 : i32
    %dma_start3A_70 = tpu.memref_slice %arg9[%dma_start3A_67, %dma_start3A_68, %dma_start3A_69] : memref<2x200x64xf32, #tpu.memory_space<vmem>> -> memref<1x72x64xf32, #tpu.memory_space<vmem>>
    %dma_start3A_71 = tpu.memref_squeeze %dma_start3A_70 : memref<1x72x64xf32, #tpu.memory_space<vmem>> -> memref<72x64xf32, #tpu.memory_space<vmem>>
    %dma_start3A_72 = arith.constant 128 : i32
    %dma_start3A_73 = tpu.memref_slice %arg7[%dma_start3A_66, %dma_start3A_72] : memref<2x200xi32, #tpu.memory_space<vmem>> -> memref<1x72xi32, #tpu.memory_space<vmem>>
    %dma_start3A_74 = tpu.memref_squeeze %dma_start3A_73 : memref<1x72xi32, #tpu.memory_space<vmem>> -> memref<72xi32, #tpu.memory_space<vmem>>
    %dma_start3A_75 = arith.constant 0 : i32
    %dma_start3A_76 = arith.constant 0 : i32
    %dma_start3A_77 = tpu.memref_slice %arg3[%dma_start3A_75, %dma_start3A_76] : memref<1000000x64xf32, #tpu.memory_space<hbm>> -> memref<1000000x64xf32, #tpu.memory_space<hbm>>
    tpu.enqueue_indirect_dma source(%dma_start3A_77 : memref<1000000x64xf32, #tpu.memory_space<hbm>>) target(%dma_start3A_71 : memref<72x64xf32, #tpu.memory_space<vmem>>) offsets(%dma_start3A_74 : memref<72xi32, #tpu.memory_space<vmem>>) semaphore(%arg12 : memref<!tpu.dma_semaphore, #tpu.memory_space<semaphore_mem>>)
    %dma_start3A_78 = arith.constant 1 : i32
    %dma_start3A_79 = arith.constant 1 : i32
    %dma_start3A_80 = arith.constant 0 : i32
    %dma_start3A_81 = arith.constant 0 : i32
    %dma_start3A_82 = tpu.memref_slice %arg9[%dma_start3A_79, %dma_start3A_80, %dma_start3A_81] : memref<2x200x64xf32, #tpu.memory_space<vmem>> -> memref<1x128x64xf32, #tpu.memory_space<vmem>>
    %dma_start3A_83 = tpu.memref_squeeze %dma_start3A_82 : memref<1x128x64xf32, #tpu.memory_space<vmem>> -> memref<128x64xf32, #tpu.memory_space<vmem>>
    %dma_start3A_84 = arith.constant 0 : i32
    %dma_start3A_85 = tpu.memref_slice %arg7[%dma_start3A_78, %dma_start3A_84] : memref<2x200xi32, #tpu.memory_space<vmem>> -> memref<1x128xi32, #tpu.memory_space<vmem>>
    %dma_start3A_86 = tpu.memref_squeeze %dma_start3A_85 : memref<1x128xi32, #tpu.memory_space<vmem>> -> memref<128xi32, #tpu.memory_space<vmem>>
    %dma_start3A_87 = arith.constant 0 : i32
    %dma_start3A_88 = arith.constant 0 : i32
    %dma_start3A_89 = tpu.memref_slice %arg3[%dma_start3A_87, %dma_start3A_88] : memref<1000000x64xf32, #tpu.memory_space<hbm>> -> memref<1000000x64xf32, #tpu.memory_space<hbm>>
    tpu.enqueue_indirect_dma source(%dma_start3A_89 : memref<1000000x64xf32, #tpu.memory_space<hbm>>) target(%dma_start3A_83 : memref<128x64xf32, #tpu.memory_space<vmem>>) offsets(%dma_start3A_86 : memref<128xi32, #tpu.memory_space<vmem>>) semaphore(%arg12 : memref<!tpu.dma_semaphore, #tpu.memory_space<semaphore_mem>>)
    %dma_start3A_90 = arith.constant 1 : i32
    %dma_start3A_91 = arith.constant 1 : i32
    %dma_start3A_92 = arith.constant 128 : i32
    %dma_start3A_93 = arith.constant 0 : i32
    %dma_start3A_94 = tpu.memref_slice %arg9[%dma_start3A_91, %dma_start3A_92, %dma_start3A_93] : memref<2x200x64xf32, #tpu.memory_space<vmem>> -> memref<1x72x64xf32, #tpu.memory_space<vmem>>
    %dma_start3A_95 = tpu.memref_squeeze %dma_start3A_94 : memref<1x72x64xf32, #tpu.memory_space<vmem>> -> memref<72x64xf32, #tpu.memory_space<vmem>>
    %dma_start3A_96 = arith.constant 128 : i32
    %dma_start3A_97 = tpu.memref_slice %arg7[%dma_start3A_90, %dma_start3A_96] : memref<2x200xi32, #tpu.memory_space<vmem>> -> memref<1x72xi32, #tpu.memory_space<vmem>>
    %dma_start3A_98 = tpu.memref_squeeze %dma_start3A_97 : memref<1x72xi32, #tpu.memory_space<vmem>> -> memref<72xi32, #tpu.memory_space<vmem>>
    %dma_start3A_99 = arith.constant 0 : i32
    %dma_start3A_100 = arith.constant 0 : i32
    %dma_start3A_101 = tpu.memref_slice %arg3[%dma_start3A_99, %dma_start3A_100] : memref<1000000x64xf32, #tpu.memory_space<hbm>> -> memref<1000000x64xf32, #tpu.memory_space<hbm>>
    tpu.enqueue_indirect_dma source(%dma_start3A_101 : memref<1000000x64xf32, #tpu.memory_space<hbm>>) target(%dma_start3A_95 : memref<72x64xf32, #tpu.memory_space<vmem>>) offsets(%dma_start3A_98 : memref<72xi32, #tpu.memory_space<vmem>>) semaphore(%arg12 : memref<!tpu.dma_semaphore, #tpu.memory_space<semaphore_mem>>)
    %scan3A = arith.constant 0 : i32
    %scan3A_102 = arith.constant 0 : i32
    %scan3A_103 = arith.constant 32 : i32
    %scan3A_104 = arith.addi %scan3A_102, %scan3A_103 : i32
    %scan3A_105 = arith.constant 1 : i32
    scf.for %scan3A_107 = %scan3A_102 to %scan3A_104 step %scan3A_105  : i32 {
      %mul3A_108 = arith.constant 2 : i32
      %mul3A_109 = arith.muli %mul3A_108, %scan3A_107 : i32
      %add3A_110 = arith.constant 1 : i32
      %add3A_111 = arith.addi %mul3A_109, %add3A_110 : i32
      %dma_wait3A = arith.constant 0 : i32
      %dma_wait3A_112 = arith.constant 0 : i32
      %dma_wait3A_113 = arith.constant 0 : i32
      %dma_wait3A_114 = arith.constant 0 : i32
      %dma_wait3A_115 = tpu.memref_slice %arg8[%dma_wait3A_112, %dma_wait3A_113, %dma_wait3A_114] : memref<2x200x64xf32, #tpu.memory_space<vmem>> -> memref<1x128x64xf32, #tpu.memory_space<vmem>>
      %dma_wait3A_116 = tpu.memref_squeeze %dma_wait3A_115 : memref<1x128x64xf32, #tpu.memory_space<vmem>> -> memref<128x64xf32, #tpu.memory_space<vmem>>
      %dma_wait3A_117 = arith.constant 0 : i32
      %dma_wait3A_118 = tpu.memref_slice %arg6[%dma_wait3A, %dma_wait3A_117] : memref<2x200xi32, #tpu.memory_space<vmem>> -> memref<1x128xi32, #tpu.memory_space<vmem>>
      %dma_wait3A_119 = tpu.memref_squeeze %dma_wait3A_118 : memref<1x128xi32, #tpu.memory_space<vmem>> -> memref<128xi32, #tpu.memory_space<vmem>>
      %dma_wait3A_120 = arith.constant 0 : i32
      %dma_wait3A_121 = arith.constant 0 : i32
      %dma_wait3A_122 = tpu.memref_slice %arg3[%dma_wait3A_120, %dma_wait3A_121] : memref<1000000x64xf32, #tpu.memory_space<hbm>> -> memref<1000000x64xf32, #tpu.memory_space<hbm>>
      tpu.wait_indirect_dma semaphore(%arg11 : memref<!tpu.dma_semaphore, #tpu.memory_space<semaphore_mem>>) src(%dma_wait3A_122 : memref<1000000x64xf32, #tpu.memory_space<hbm>>) dst(%dma_wait3A_116 : memref<128x64xf32, #tpu.memory_space<vmem>>)
      %dma_wait3A_123 = arith.constant 0 : i32
      %dma_wait3A_124 = arith.constant 0 : i32
      %dma_wait3A_125 = arith.constant 128 : i32
      %dma_wait3A_126 = arith.constant 0 : i32
      %dma_wait3A_127 = tpu.memref_slice %arg8[%dma_wait3A_124, %dma_wait3A_125, %dma_wait3A_126] : memref<2x200x64xf32, #tpu.memory_space<vmem>> -> memref<1x72x64xf32, #tpu.memory_space<vmem>>
      %dma_wait3A_128 = tpu.memref_squeeze %dma_wait3A_127 : memref<1x72x64xf32, #tpu.memory_space<vmem>> -> memref<72x64xf32, #tpu.memory_space<vmem>>
      %dma_wait3A_129 = arith.constant 128 : i32
      %dma_wait3A_130 = tpu.memref_slice %arg6[%dma_wait3A_123, %dma_wait3A_129] : memref<2x200xi32, #tpu.memory_space<vmem>> -> memref<1x72xi32, #tpu.memory_space<vmem>>
      %dma_wait3A_131 = tpu.memref_squeeze %dma_wait3A_130 : memref<1x72xi32, #tpu.memory_space<vmem>> -> memref<72xi32, #tpu.memory_space<vmem>>
      %dma_wait3A_132 = arith.constant 0 : i32
      %dma_wait3A_133 = arith.constant 0 : i32
      %dma_wait3A_134 = tpu.memref_slice %arg3[%dma_wait3A_132, %dma_wait3A_133] : memref<1000000x64xf32, #tpu.memory_space<hbm>> -> memref<1000000x64xf32, #tpu.memory_space<hbm>>
      tpu.wait_indirect_dma semaphore(%arg11 : memref<!tpu.dma_semaphore, #tpu.memory_space<semaphore_mem>>) src(%dma_wait3A_134 : memref<1000000x64xf32, #tpu.memory_space<hbm>>) dst(%dma_wait3A_128 : memref<72x64xf32, #tpu.memory_space<vmem>>)
      %dma_wait3A_135 = arith.constant 1 : i32
      %dma_wait3A_136 = arith.constant 1 : i32
      %dma_wait3A_137 = arith.constant 0 : i32
      %dma_wait3A_138 = arith.constant 0 : i32
      %dma_wait3A_139 = tpu.memref_slice %arg8[%dma_wait3A_136, %dma_wait3A_137, %dma_wait3A_138] : memref<2x200x64xf32, #tpu.memory_space<vmem>> -> memref<1x128x64xf32, #tpu.memory_space<vmem>>
      %dma_wait3A_140 = tpu.memref_squeeze %dma_wait3A_139 : memref<1x128x64xf32, #tpu.memory_space<vmem>> -> memref<128x64xf32, #tpu.memory_space<vmem>>
      %dma_wait3A_141 = arith.constant 0 : i32
      %dma_wait3A_142 = tpu.memref_slice %arg6[%dma_wait3A_135, %dma_wait3A_141] : memref<2x200xi32, #tpu.memory_space<vmem>> -> memref<1x128xi32, #tpu.memory_space<vmem>>
      %dma_wait3A_143 = tpu.memref_squeeze %dma_wait3A_142 : memref<1x128xi32, #tpu.memory_space<vmem>> -> memref<128xi32, #tpu.memory_space<vmem>>
      %dma_wait3A_144 = arith.constant 0 : i32
      %dma_wait3A_145 = arith.constant 0 : i32
      %dma_wait3A_146 = tpu.memref_slice %arg3[%dma_wait3A_144, %dma_wait3A_145] : memref<1000000x64xf32, #tpu.memory_space<hbm>> -> memref<1000000x64xf32, #tpu.memory_space<hbm>>
      tpu.wait_indirect_dma semaphore(%arg11 : memref<!tpu.dma_semaphore, #tpu.memory_space<semaphore_mem>>) src(%dma_wait3A_146 : memref<1000000x64xf32, #tpu.memory_space<hbm>>) dst(%dma_wait3A_140 : memref<128x64xf32, #tpu.memory_space<vmem>>)
      %dma_wait3A_147 = arith.constant 1 : i32
      %dma_wait3A_148 = arith.constant 1 : i32
      %dma_wait3A_149 = arith.constant 128 : i32
      %dma_wait3A_150 = arith.constant 0 : i32
      %dma_wait3A_151 = tpu.memref_slice %arg8[%dma_wait3A_148, %dma_wait3A_149, %dma_wait3A_150] : memref<2x200x64xf32, #tpu.memory_space<vmem>> -> memref<1x72x64xf32, #tpu.memory_space<vmem>>
      %dma_wait3A_152 = tpu.memref_squeeze %dma_wait3A_151 : memref<1x72x64xf32, #tpu.memory_space<vmem>> -> memref<72x64xf32, #tpu.memory_space<vmem>>
      %dma_wait3A_153 = arith.constant 128 : i32
      %dma_wait3A_154 = tpu.memref_slice %arg6[%dma_wait3A_147, %dma_wait3A_153] : memref<2x200xi32, #tpu.memory_space<vmem>> -> memref<1x72xi32, #tpu.memory_space<vmem>>
      %dma_wait3A_155 = tpu.memref_squeeze %dma_wait3A_154 : memref<1x72xi32, #tpu.memory_space<vmem>> -> memref<72xi32, #tpu.memory_space<vmem>>
      %dma_wait3A_156 = arith.constant 0 : i32
      %dma_wait3A_157 = arith.constant 0 : i32
      %dma_wait3A_158 = tpu.memref_slice %arg3[%dma_wait3A_156, %dma_wait3A_157] : memref<1000000x64xf32, #tpu.memory_space<hbm>> -> memref<1000000x64xf32, #tpu.memory_space<hbm>>
      tpu.wait_indirect_dma semaphore(%arg11 : memref<!tpu.dma_semaphore, #tpu.memory_space<semaphore_mem>>) src(%dma_wait3A_158 : memref<1000000x64xf32, #tpu.memory_space<hbm>>) dst(%dma_wait3A_152 : memref<72x64xf32, #tpu.memory_space<vmem>>)
      %parallel_loop3A = arith.constant 0 : i32
      %parallel_loop3A_159 = arith.constant 200 : i32
      %parallel_loop3A_160 = arith.constant 1 : i32
      scf.for %parallel_loop3A_261 = %parallel_loop3A to %parallel_loop3A_159 step %parallel_loop3A_160  : i32 {
        %parallel_loop3A_262 = arith.constant 0 : i32
        %parallel_loop3A_263 = arith.index_cast %parallel_loop3A_262 : i32 to index
        %parallel_loop3A_264 = arith.index_cast %parallel_loop3A_261 : i32 to index
        %parallel_loop3A_265 = arith.constant 0 : index
        %parallel_loop3A_266 = tpu.vector_load %arg8[%parallel_loop3A_263, %parallel_loop3A_264, %parallel_loop3A_265] {strides = array<i32>} : memref<2x200x64xf32, #tpu.memory_space<vmem>>, vector<1x1x16xf32>,
        %parallel_loop3A_267 = vector.shape_cast %parallel_loop3A_266 : vector<1x1x16xf32> to vector<16xf32>
        %parallel_loop3A_268 = arith.constant 64 : i32
        %parallel_loop3A_269 = arith.muli %parallel_loop3A_261, %parallel_loop3A_268 : i32
        %parallel_loop3A_270 = arith.constant 0 : i32
        %parallel_loop3A_271 = arith.addi %parallel_loop3A_269, %parallel_loop3A_270 : i32
        %parallel_loop3A_272 = arith.index_cast %parallel_loop3A_271 : i32 to index
        %parallel_loop3A_273 = tpu.vector_load %arg10[%parallel_loop3A_272] {strides = array<i32>} : memref<12800xf32, #tpu.memory_space<vmem>>, vector<16xf32>,
        %parallel_loop3A_274 = vector.shape_cast %parallel_loop3A_273 : vector<16xf32> to vector<16xf32>
        %parallel_loop3A_275 = arith.addf %parallel_loop3A_267, %parallel_loop3A_274 : vector<16xf32>
        %parallel_loop3A_276 = arith.constant 0 : i32
        %parallel_loop3A_277 = arith.index_cast %parallel_loop3A_276 : i32 to index
        %parallel_loop3A_278 = arith.index_cast %parallel_loop3A_261 : i32 to index
        %parallel_loop3A_279 = arith.constant 0 : index
        %parallel_loop3A_280 = tpu.vector_load %arg8[%parallel_loop3A_277, %parallel_loop3A_278, %parallel_loop3A_279] {strides = array<i32>} : memref<2x200x64xf32, #tpu.memory_space<vmem>>, vector<1x1x16xf32>,
        %parallel_loop3A_281 = vector.shape_cast %parallel_loop3A_280 : vector<1x1x16xf32> to vector<16xf32>
        %parallel_loop3A_282 = vector.shape_cast %parallel_loop3A_275 : vector<16xf32> to vector<1x1x16xf32>
        tpu.vector_store %arg8[%parallel_loop3A_277, %parallel_loop3A_278, %parallel_loop3A_279], %parallel_loop3A_282 {strides = array<i32>} : memref<2x200x64xf32, #tpu.memory_space<vmem>>, vector<1x1x16xf32>,
        %parallel_loop3A_283 = arith.constant 0 : i32
        %parallel_loop3A_284 = arith.index_cast %parallel_loop3A_283 : i32 to index
        %parallel_loop3A_285 = arith.index_cast %parallel_loop3A_261 : i32 to index
        %parallel_loop3A_286 = arith.constant 16 : index
        %parallel_loop3A_287 = tpu.vector_load %arg8[%parallel_loop3A_284, %parallel_loop3A_285, %parallel_loop3A_286] {strides = array<i32>} : memref<2x200x64xf32, #tpu.memory_space<vmem>>, vector<1x1x16xf32>,
        %parallel_loop3A_288 = vector.shape_cast %parallel_loop3A_287 : vector<1x1x16xf32> to vector<16xf32>
        %parallel_loop3A_289 = arith.constant 64 : i32
        %parallel_loop3A_290 = arith.muli %parallel_loop3A_261, %parallel_loop3A_289 : i32
        %parallel_loop3A_291 = arith.constant 16 : i32
        %parallel_loop3A_292 = arith.addi %parallel_loop3A_290, %parallel_loop3A_291 : i32
        %parallel_loop3A_293 = arith.index_cast %parallel_loop3A_292 : i32 to index
        %parallel_loop3A_294 = tpu.vector_load %arg10[%parallel_loop3A_293] {strides = array<i32>} : memref<12800xf32, #tpu.memory_space<vmem>>, vector<16xf32>,
        %parallel_loop3A_295 = vector.shape_cast %parallel_loop3A_294 : vector<16xf32> to vector<16xf32>
        %parallel_loop3A_296 = arith.addf %parallel_loop3A_288, %parallel_loop3A_295 : vector<16xf32>
        %parallel_loop3A_297 = arith.constant 0 : i32
        %parallel_loop3A_298 = arith.index_cast %parallel_loop3A_297 : i32 to index
        %parallel_loop3A_299 = arith.index_cast %parallel_loop3A_261 : i32 to index
        %parallel_loop3A_300 = arith.constant 16 : index
        %parallel_loop3A_301 = tpu.vector_load %arg8[%parallel_loop3A_298, %parallel_loop3A_299, %parallel_loop3A_300] {strides = array<i32>} : memref<2x200x64xf32, #tpu.memory_space<vmem>>, vector<1x1x16xf32>,
        %parallel_loop3A_302 = vector.shape_cast %parallel_loop3A_301 : vector<1x1x16xf32> to vector<16xf32>
        %parallel_loop3A_303 = vector.shape_cast %parallel_loop3A_296 : vector<16xf32> to vector<1x1x16xf32>
        tpu.vector_store %arg8[%parallel_loop3A_298, %parallel_loop3A_299, %parallel_loop3A_300], %parallel_loop3A_303 {strides = array<i32>} : memref<2x200x64xf32, #tpu.memory_space<vmem>>, vector<1x1x16xf32>,
        %parallel_loop3A_304 = arith.constant 0 : i32
        %parallel_loop3A_305 = arith.index_cast %parallel_loop3A_304 : i32 to index
        %parallel_loop3A_306 = arith.index_cast %parallel_loop3A_261 : i32 to index
        %parallel_loop3A_307 = arith.constant 32 : index
        %parallel_loop3A_308 = tpu.vector_load %arg8[%parallel_loop3A_305, %parallel_loop3A_306, %parallel_loop3A_307] {strides = array<i32>} : memref<2x200x64xf32, #tpu.memory_space<vmem>>, vector<1x1x16xf32>,
        %parallel_loop3A_309 = vector.shape_cast %parallel_loop3A_308 : vector<1x1x16xf32> to vector<16xf32>
        %parallel_loop3A_310 = arith.constant 64 : i32
        %parallel_loop3A_311 = arith.muli %parallel_loop3A_261, %parallel_loop3A_310 : i32
        %parallel_loop3A_312 = arith.constant 32 : i32
        %parallel_loop3A_313 = arith.addi %parallel_loop3A_311, %parallel_loop3A_312 : i32
        %parallel_loop3A_314 = arith.index_cast %parallel_loop3A_313 : i32 to index
        %parallel_loop3A_315 = tpu.vector_load %arg10[%parallel_loop3A_314] {strides = array<i32>} : memref<12800xf32, #tpu.memory_space<vmem>>, vector<16xf32>,
        %parallel_loop3A_316 = vector.shape_cast %parallel_loop3A_315 : vector<16xf32> to vector<16xf32>
        %parallel_loop3A_317 = arith.addf %parallel_loop3A_309, %parallel_loop3A_316 : vector<16xf32>
        %parallel_loop3A_318 = arith.constant 0 : i32
        %parallel_loop3A_319 = arith.index_cast %parallel_loop3A_318 : i32 to index
        %parallel_loop3A_320 = arith.index_cast %parallel_loop3A_261 : i32 to index
        %parallel_loop3A_321 = arith.constant 32 : index
        %parallel_loop3A_322 = tpu.vector_load %arg8[%parallel_loop3A_319, %parallel_loop3A_320, %parallel_loop3A_321] {strides = array<i32>} : memref<2x200x64xf32, #tpu.memory_space<vmem>>, vector<1x1x16xf32>,
        %parallel_loop3A_323 = vector.shape_cast %parallel_loop3A_322 : vector<1x1x16xf32> to vector<16xf32>
        %parallel_loop3A_324 = vector.shape_cast %parallel_loop3A_317 : vector<16xf32> to vector<1x1x16xf32>
        tpu.vector_store %arg8[%parallel_loop3A_319, %parallel_loop3A_320, %parallel_loop3A_321], %parallel_loop3A_324 {strides = array<i32>} : memref<2x200x64xf32, #tpu.memory_space<vmem>>, vector<1x1x16xf32>,
        %parallel_loop3A_325 = arith.constant 0 : i32
        %parallel_loop3A_326 = arith.index_cast %parallel_loop3A_325 : i32 to index
        %parallel_loop3A_327 = arith.index_cast %parallel_loop3A_261 : i32 to index
        %parallel_loop3A_328 = arith.constant 48 : index
        %parallel_loop3A_329 = tpu.vector_load %arg8[%parallel_loop3A_326, %parallel_loop3A_327, %parallel_loop3A_328] {strides = array<i32>} : memref<2x200x64xf32, #tpu.memory_space<vmem>>, vector<1x1x16xf32>,
        %parallel_loop3A_330 = vector.shape_cast %parallel_loop3A_329 : vector<1x1x16xf32> to vector<16xf32>
        %parallel_loop3A_331 = arith.constant 64 : i32
        %parallel_loop3A_332 = arith.muli %parallel_loop3A_261, %parallel_loop3A_331 : i32
        %parallel_loop3A_333 = arith.constant 48 : i32
        %parallel_loop3A_334 = arith.addi %parallel_loop3A_332, %parallel_loop3A_333 : i32
        %parallel_loop3A_335 = arith.index_cast %parallel_loop3A_334 : i32 to index
        %parallel_loop3A_336 = tpu.vector_load %arg10[%parallel_loop3A_335] {strides = array<i32>} : memref<12800xf32, #tpu.memory_space<vmem>>, vector<16xf32>,
        %parallel_loop3A_337 = vector.shape_cast %parallel_loop3A_336 : vector<16xf32> to vector<16xf32>
        %parallel_loop3A_338 = arith.addf %parallel_loop3A_330, %parallel_loop3A_337 : vector<16xf32>
        %parallel_loop3A_339 = arith.constant 0 : i32
        %parallel_loop3A_340 = arith.index_cast %parallel_loop3A_339 : i32 to index
        %parallel_loop3A_341 = arith.index_cast %parallel_loop3A_261 : i32 to index
        %parallel_loop3A_342 = arith.constant 48 : index
        %parallel_loop3A_343 = tpu.vector_load %arg8[%parallel_loop3A_340, %parallel_loop3A_341, %parallel_loop3A_342] {strides = array<i32>} : memref<2x200x64xf32, #tpu.memory_space<vmem>>, vector<1x1x16xf32>,
        %parallel_loop3A_344 = vector.shape_cast %parallel_loop3A_343 : vector<1x1x16xf32> to vector<16xf32>
        %parallel_loop3A_345 = vector.shape_cast %parallel_loop3A_338 : vector<16xf32> to vector<1x1x16xf32>
        tpu.vector_store %arg8[%parallel_loop3A_340, %parallel_loop3A_341, %parallel_loop3A_342], %parallel_loop3A_345 {strides = array<i32>} : memref<2x200x64xf32, #tpu.memory_space<vmem>>, vector<1x1x16xf32>,
      } {sc.loop_unroll_factor = 4 : i64, sc.parallel_access}
      %parallel_loop3A_161 = arith.constant 0 : i32
      %parallel_loop3A_162 = arith.constant 200 : i32
      %parallel_loop3A_163 = arith.constant 1 : i32
      scf.for %parallel_loop3A_261 = %parallel_loop3A_161 to %parallel_loop3A_162 step %parallel_loop3A_163  : i32 {
        %parallel_loop3A_262 = arith.constant 1 : i32
        %parallel_loop3A_263 = arith.index_cast %parallel_loop3A_262 : i32 to index
        %parallel_loop3A_264 = arith.index_cast %parallel_loop3A_261 : i32 to index
        %parallel_loop3A_265 = arith.constant 0 : index
        %parallel_loop3A_266 = tpu.vector_load %arg8[%parallel_loop3A_263, %parallel_loop3A_264, %parallel_loop3A_265] {strides = array<i32>} : memref<2x200x64xf32, #tpu.memory_space<vmem>>, vector<1x1x16xf32>,
        %parallel_loop3A_267 = vector.shape_cast %parallel_loop3A_266 : vector<1x1x16xf32> to vector<16xf32>
        %parallel_loop3A_268 = arith.constant 64 : i32
        %parallel_loop3A_269 = arith.muli %parallel_loop3A_261, %parallel_loop3A_268 : i32
        %parallel_loop3A_270 = arith.constant 0 : i32
        %parallel_loop3A_271 = arith.addi %parallel_loop3A_269, %parallel_loop3A_270 : i32
        %parallel_loop3A_272 = arith.index_cast %parallel_loop3A_271 : i32 to index
        %parallel_loop3A_273 = tpu.vector_load %arg10[%parallel_loop3A_272] {strides = array<i32>} : memref<12800xf32, #tpu.memory_space<vmem>>, vector<16xf32>,
        %parallel_loop3A_274 = vector.shape_cast %parallel_loop3A_273 : vector<16xf32> to vector<16xf32>
        %parallel_loop3A_275 = arith.addf %parallel_loop3A_267, %parallel_loop3A_274 : vector<16xf32>
        %parallel_loop3A_276 = arith.constant 1 : i32
        %parallel_loop3A_277 = arith.index_cast %parallel_loop3A_276 : i32 to index
        %parallel_loop3A_278 = arith.index_cast %parallel_loop3A_261 : i32 to index
        %parallel_loop3A_279 = arith.constant 0 : index
        %parallel_loop3A_280 = tpu.vector_load %arg8[%parallel_loop3A_277, %parallel_loop3A_278, %parallel_loop3A_279] {strides = array<i32>} : memref<2x200x64xf32, #tpu.memory_space<vmem>>, vector<1x1x16xf32>,
        %parallel_loop3A_281 = vector.shape_cast %parallel_loop3A_280 : vector<1x1x16xf32> to vector<16xf32>
        %parallel_loop3A_282 = vector.shape_cast %parallel_loop3A_275 : vector<16xf32> to vector<1x1x16xf32>
        tpu.vector_store %arg8[%parallel_loop3A_277, %parallel_loop3A_278, %parallel_loop3A_279], %parallel_loop3A_282 {strides = array<i32>} : memref<2x200x64xf32, #tpu.memory_space<vmem>>, vector<1x1x16xf32>,
        %parallel_loop3A_283 = arith.constant 1 : i32
        %parallel_loop3A_284 = arith.index_cast %parallel_loop3A_283 : i32 to index
        %parallel_loop3A_285 = arith.index_cast %parallel_loop3A_261 : i32 to index
        %parallel_loop3A_286 = arith.constant 16 : index
        %parallel_loop3A_287 = tpu.vector_load %arg8[%parallel_loop3A_284, %parallel_loop3A_285, %parallel_loop3A_286] {strides = array<i32>} : memref<2x200x64xf32, #tpu.memory_space<vmem>>, vector<1x1x16xf32>,
        %parallel_loop3A_288 = vector.shape_cast %parallel_loop3A_287 : vector<1x1x16xf32> to vector<16xf32>
        %parallel_loop3A_289 = arith.constant 64 : i32
        %parallel_loop3A_290 = arith.muli %parallel_loop3A_261, %parallel_loop3A_289 : i32
        %parallel_loop3A_291 = arith.constant 16 : i32
        %parallel_loop3A_292 = arith.addi %parallel_loop3A_290, %parallel_loop3A_291 : i32
        %parallel_loop3A_293 = arith.index_cast %parallel_loop3A_292 : i32 to index
        %parallel_loop3A_294 = tpu.vector_load %arg10[%parallel_loop3A_293] {strides = array<i32>} : memref<12800xf32, #tpu.memory_space<vmem>>, vector<16xf32>,
        %parallel_loop3A_295 = vector.shape_cast %parallel_loop3A_294 : vector<16xf32> to vector<16xf32>
        %parallel_loop3A_296 = arith.addf %parallel_loop3A_288, %parallel_loop3A_295 : vector<16xf32>
        %parallel_loop3A_297 = arith.constant 1 : i32
        %parallel_loop3A_298 = arith.index_cast %parallel_loop3A_297 : i32 to index
        %parallel_loop3A_299 = arith.index_cast %parallel_loop3A_261 : i32 to index
        %parallel_loop3A_300 = arith.constant 16 : index
        %parallel_loop3A_301 = tpu.vector_load %arg8[%parallel_loop3A_298, %parallel_loop3A_299, %parallel_loop3A_300] {strides = array<i32>} : memref<2x200x64xf32, #tpu.memory_space<vmem>>, vector<1x1x16xf32>,
        %parallel_loop3A_302 = vector.shape_cast %parallel_loop3A_301 : vector<1x1x16xf32> to vector<16xf32>
        %parallel_loop3A_303 = vector.shape_cast %parallel_loop3A_296 : vector<16xf32> to vector<1x1x16xf32>
        tpu.vector_store %arg8[%parallel_loop3A_298, %parallel_loop3A_299, %parallel_loop3A_300], %parallel_loop3A_303 {strides = array<i32>} : memref<2x200x64xf32, #tpu.memory_space<vmem>>, vector<1x1x16xf32>,
        %parallel_loop3A_304 = arith.constant 1 : i32
        %parallel_loop3A_305 = arith.index_cast %parallel_loop3A_304 : i32 to index
        %parallel_loop3A_306 = arith.index_cast %parallel_loop3A_261 : i32 to index
        %parallel_loop3A_307 = arith.constant 32 : index
        %parallel_loop3A_308 = tpu.vector_load %arg8[%parallel_loop3A_305, %parallel_loop3A_306, %parallel_loop3A_307] {strides = array<i32>} : memref<2x200x64xf32, #tpu.memory_space<vmem>>, vector<1x1x16xf32>,
        %parallel_loop3A_309 = vector.shape_cast %parallel_loop3A_308 : vector<1x1x16xf32> to vector<16xf32>
        %parallel_loop3A_310 = arith.constant 64 : i32
        %parallel_loop3A_311 = arith.muli %parallel_loop3A_261, %parallel_loop3A_310 : i32
        %parallel_loop3A_312 = arith.constant 32 : i32
        %parallel_loop3A_313 = arith.addi %parallel_loop3A_311, %parallel_loop3A_312 : i32
        %parallel_loop3A_314 = arith.index_cast %parallel_loop3A_313 : i32 to index
        %parallel_loop3A_315 = tpu.vector_load %arg10[%parallel_loop3A_314] {strides = array<i32>} : memref<12800xf32, #tpu.memory_space<vmem>>, vector<16xf32>,
        %parallel_loop3A_316 = vector.shape_cast %parallel_loop3A_315 : vector<16xf32> to vector<16xf32>
        %parallel_loop3A_317 = arith.addf %parallel_loop3A_309, %parallel_loop3A_316 : vector<16xf32>
        %parallel_loop3A_318 = arith.constant 1 : i32
        %parallel_loop3A_319 = arith.index_cast %parallel_loop3A_318 : i32 to index
        %parallel_loop3A_320 = arith.index_cast %parallel_loop3A_261 : i32 to index
        %parallel_loop3A_321 = arith.constant 32 : index
        %parallel_loop3A_322 = tpu.vector_load %arg8[%parallel_loop3A_319, %parallel_loop3A_320, %parallel_loop3A_321] {strides = array<i32>} : memref<2x200x64xf32, #tpu.memory_space<vmem>>, vector<1x1x16xf32>,
        %parallel_loop3A_323 = vector.shape_cast %parallel_loop3A_322 : vector<1x1x16xf32> to vector<16xf32>
        %parallel_loop3A_324 = vector.shape_cast %parallel_loop3A_317 : vector<16xf32> to vector<1x1x16xf32>
        tpu.vector_store %arg8[%parallel_loop3A_319, %parallel_loop3A_320, %parallel_loop3A_321], %parallel_loop3A_324 {strides = array<i32>} : memref<2x200x64xf32, #tpu.memory_space<vmem>>, vector<1x1x16xf32>,
        %parallel_loop3A_325 = arith.constant 1 : i32
        %parallel_loop3A_326 = arith.index_cast %parallel_loop3A_325 : i32 to index
        %parallel_loop3A_327 = arith.index_cast %parallel_loop3A_261 : i32 to index
        %parallel_loop3A_328 = arith.constant 48 : index
        %parallel_loop3A_329 = tpu.vector_load %arg8[%parallel_loop3A_326, %parallel_loop3A_327, %parallel_loop3A_328] {strides = array<i32>} : memref<2x200x64xf32, #tpu.memory_space<vmem>>, vector<1x1x16xf32>,
        %parallel_loop3A_330 = vector.shape_cast %parallel_loop3A_329 : vector<1x1x16xf32> to vector<16xf32>
        %parallel_loop3A_331 = arith.constant 64 : i32
        %parallel_loop3A_332 = arith.muli %parallel_loop3A_261, %parallel_loop3A_331 : i32
        %parallel_loop3A_333 = arith.constant 48 : i32
        %parallel_loop3A_334 = arith.addi %parallel_loop3A_332, %parallel_loop3A_333 : i32
        %parallel_loop3A_335 = arith.index_cast %parallel_loop3A_334 : i32 to index
        %parallel_loop3A_336 = tpu.vector_load %arg10[%parallel_loop3A_335] {strides = array<i32>} : memref<12800xf32, #tpu.memory_space<vmem>>, vector<16xf32>,
        %parallel_loop3A_337 = vector.shape_cast %parallel_loop3A_336 : vector<16xf32> to vector<16xf32>
        %parallel_loop3A_338 = arith.addf %parallel_loop3A_330, %parallel_loop3A_337 : vector<16xf32>
        %parallel_loop3A_339 = arith.constant 1 : i32
        %parallel_loop3A_340 = arith.index_cast %parallel_loop3A_339 : i32 to index
        %parallel_loop3A_341 = arith.index_cast %parallel_loop3A_261 : i32 to index
        %parallel_loop3A_342 = arith.constant 48 : index
        %parallel_loop3A_343 = tpu.vector_load %arg8[%parallel_loop3A_340, %parallel_loop3A_341, %parallel_loop3A_342] {strides = array<i32>} : memref<2x200x64xf32, #tpu.memory_space<vmem>>, vector<1x1x16xf32>,
        %parallel_loop3A_344 = vector.shape_cast %parallel_loop3A_343 : vector<1x1x16xf32> to vector<16xf32>
        %parallel_loop3A_345 = vector.shape_cast %parallel_loop3A_338 : vector<16xf32> to vector<1x1x16xf32>
        tpu.vector_store %arg8[%parallel_loop3A_340, %parallel_loop3A_341, %parallel_loop3A_342], %parallel_loop3A_345 {strides = array<i32>} : memref<2x200x64xf32, #tpu.memory_space<vmem>>, vector<1x1x16xf32>,
      } {sc.loop_unroll_factor = 4 : i64, sc.parallel_access}
      %mul3A_164 = arith.constant 2 : i32
      %mul3A_165 = arith.muli %mul3A_109, %mul3A_164 : i32
      %add3A_166 = arith.addi %mul3A_2, %mul3A_165 : i32
      %dma_start3A_167 = arith.constant 0 : i32
      %dma_start3A_168 = arith.constant 0 : i32
      %dma_start3A_169 = tpu.memref_slice %arg5[%add3A_166, %dma_start3A_167, %dma_start3A_168] : memref<4096x200x64xf32, #tpu.memory_space<hbm>> -> memref<2x200x64xf32, #tpu.memory_space<hbm>>
      %dma_start3A_170 = arith.constant 0 : i32
      %dma_start3A_171 = arith.constant 0 : i32
      %dma_start3A_172 = tpu.memref_slice %arg5[%add3A_166, %dma_start3A_170, %dma_start3A_171] : memref<4096x200x64xf32, #tpu.memory_space<hbm>> -> memref<2x200x64xf32, #tpu.memory_space<hbm>>
      tpu.enqueue_dma source(%arg8 : memref<2x200x64xf32, #tpu.memory_space<vmem>>) target(%dma_start3A_172 : memref<2x200x64xf32, #tpu.memory_space<hbm>>) target_semaphore(%arg13 : memref<!tpu.dma_semaphore, #tpu.memory_space<semaphore_mem>>)
      %dma_wait3A_173 = arith.constant 0 : i32
      %dma_wait3A_174 = arith.constant 0 : i32
      %dma_wait3A_175 = arith.constant 0 : i32
      %dma_wait3A_176 = arith.constant 0 : i32
      %dma_wait3A_177 = tpu.memref_slice %arg9[%dma_wait3A_174, %dma_wait3A_175, %dma_wait3A_176] : memref<2x200x64xf32, #tpu.memory_space<vmem>> -> memref<1x128x64xf32, #tpu.memory_space<vmem>>
      %dma_wait3A_178 = tpu.memref_squeeze %dma_wait3A_177 : memref<1x128x64xf32, #tpu.memory_space<vmem>> -> memref<128x64xf32, #tpu.memory_space<vmem>>
      %dma_wait3A_179 = arith.constant 0 : i32
      %dma_wait3A_180 = tpu.memref_slice %arg7[%dma_wait3A_173, %dma_wait3A_179] : memref<2x200xi32, #tpu.memory_space<vmem>> -> memref<1x128xi32, #tpu.memory_space<vmem>>
      %dma_wait3A_181 = tpu.memref_squeeze %dma_wait3A_180 : memref<1x128xi32, #tpu.memory_space<vmem>> -> memref<128xi32, #tpu.memory_space<vmem>>
      %dma_wait3A_182 = arith.constant 0 : i32
      %dma_wait3A_183 = arith.constant 0 : i32
      %dma_wait3A_184 = tpu.memref_slice %arg3[%dma_wait3A_182, %dma_wait3A_183] : memref<1000000x64xf32, #tpu.memory_space<hbm>> -> memref<1000000x64xf32, #tpu.memory_space<hbm>>
      tpu.wait_indirect_dma semaphore(%arg12 : memref<!tpu.dma_semaphore, #tpu.memory_space<semaphore_mem>>) src(%dma_wait3A_184 : memref<1000000x64xf32, #tpu.memory_space<hbm>>) dst(%dma_wait3A_178 : memref<128x64xf32, #tpu.memory_space<vmem>>)
      %dma_wait3A_185 = arith.constant 0 : i32
      %dma_wait3A_186 = arith.constant 0 : i32
      %dma_wait3A_187 = arith.constant 128 : i32
      %dma_wait3A_188 = arith.constant 0 : i32
      %dma_wait3A_189 = tpu.memref_slice %arg9[%dma_wait3A_186, %dma_wait3A_187, %dma_wait3A_188] : memref<2x200x64xf32, #tpu.memory_space<vmem>> -> memref<1x72x64xf32, #tpu.memory_space<vmem>>
      %dma_wait3A_190 = tpu.memref_squeeze %dma_wait3A_189 : memref<1x72x64xf32, #tpu.memory_space<vmem>> -> memref<72x64xf32, #tpu.memory_space<vmem>>
      %dma_wait3A_191 = arith.constant 128 : i32
      %dma_wait3A_192 = tpu.memref_slice %arg7[%dma_wait3A_185, %dma_wait3A_191] : memref<2x200xi32, #tpu.memory_space<vmem>> -> memref<1x72xi32, #tpu.memory_space<vmem>>
      %dma_wait3A_193 = tpu.memref_squeeze %dma_wait3A_192 : memref<1x72xi32, #tpu.memory_space<vmem>> -> memref<72xi32, #tpu.memory_space<vmem>>
      %dma_wait3A_194 = arith.constant 0 : i32
      %dma_wait3A_195 = arith.constant 0 : i32
      %dma_wait3A_196 = tpu.memref_slice %arg3[%dma_wait3A_194, %dma_wait3A_195] : memref<1000000x64xf32, #tpu.memory_space<hbm>> -> memref<1000000x64xf32, #tpu.memory_space<hbm>>
      tpu.wait_indirect_dma semaphore(%arg12 : memref<!tpu.dma_semaphore, #tpu.memory_space<semaphore_mem>>) src(%dma_wait3A_196 : memref<1000000x64xf32, #tpu.memory_space<hbm>>) dst(%dma_wait3A_190 : memref<72x64xf32, #tpu.memory_space<vmem>>)
      %dma_wait3A_197 = arith.constant 1 : i32
      %dma_wait3A_198 = arith.constant 1 : i32
      %dma_wait3A_199 = arith.constant 0 : i32
      %dma_wait3A_200 = arith.constant 0 : i32
      %dma_wait3A_201 = tpu.memref_slice %arg9[%dma_wait3A_198, %dma_wait3A_199, %dma_wait3A_200] : memref<2x200x64xf32, #tpu.memory_space<vmem>> -> memref<1x128x64xf32, #tpu.memory_space<vmem>>
      %dma_wait3A_202 = tpu.memref_squeeze %dma_wait3A_201 : memref<1x128x64xf32, #tpu.memory_space<vmem>> -> memref<128x64xf32, #tpu.memory_space<vmem>>
      %dma_wait3A_203 = arith.constant 0 : i32
      %dma_wait3A_204 = tpu.memref_slice %arg7[%dma_wait3A_197, %dma_wait3A_203] : memref<2x200xi32, #tpu.memory_space<vmem>> -> memref<1x128xi32, #tpu.memory_space<vmem>>
      %dma_wait3A_205 = tpu.memref_squeeze %dma_wait3A_204 : memref<1x128xi32, #tpu.memory_space<vmem>> -> memref<128xi32, #tpu.memory_space<vmem>>
      %dma_wait3A_206 = arith.constant 0 : i32
      %dma_wait3A_207 = arith.constant 0 : i32
      %dma_wait3A_208 = tpu.memref_slice %arg3[%dma_wait3A_206, %dma_wait3A_207] : memref<1000000x64xf32, #tpu.memory_space<hbm>> -> memref<1000000x64xf32, #tpu.memory_space<hbm>>
      tpu.wait_indirect_dma semaphore(%arg12 : memref<!tpu.dma_semaphore, #tpu.memory_space<semaphore_mem>>) src(%dma_wait3A_208 : memref<1000000x64xf32, #tpu.memory_space<hbm>>) dst(%dma_wait3A_202 : memref<128x64xf32, #tpu.memory_space<vmem>>)
      %dma_wait3A_209 = arith.constant 1 : i32
      %dma_wait3A_210 = arith.constant 1 : i32
      %dma_wait3A_211 = arith.constant 128 : i32
      %dma_wait3A_212 = arith.constant 0 : i32
      %dma_wait3A_213 = tpu.memref_slice %arg9[%dma_wait3A_210, %dma_wait3A_211, %dma_wait3A_212] : memref<2x200x64xf32, #tpu.memory_space<vmem>> -> memref<1x72x64xf32, #tpu.memory_space<vmem>>
      %dma_wait3A_214 = tpu.memref_squeeze %dma_wait3A_213 : memref<1x72x64xf32, #tpu.memory_space<vmem>> -> memref<72x64xf32, #tpu.memory_space<vmem>>
      %dma_wait3A_215 = arith.constant 128 : i32
      %dma_wait3A_216 = tpu.memref_slice %arg7[%dma_wait3A_209, %dma_wait3A_215] : memref<2x200xi32, #tpu.memory_space<vmem>> -> memref<1x72xi32, #tpu.memory_space<vmem>>
      %dma_wait3A_217 = tpu.memref_squeeze %dma_wait3A_216 : memref<1x72xi32, #tpu.memory_space<vmem>> -> memref<72xi32, #tpu.memory_space<vmem>>
      %dma_wait3A_218 = arith.constant 0 : i32
      %dma_wait3A_219 = arith.constant 0 : i32
      %dma_wait3A_220 = tpu.memref_slice %arg3[%dma_wait3A_218, %dma_wait3A_219] : memref<1000000x64xf32, #tpu.memory_space<hbm>> -> memref<1000000x64xf32, #tpu.memory_space<hbm>>
      tpu.wait_indirect_dma semaphore(%arg12 : memref<!tpu.dma_semaphore, #tpu.memory_space<semaphore_mem>>) src(%dma_wait3A_220 : memref<1000000x64xf32, #tpu.memory_space<hbm>>) dst(%dma_wait3A_214 : memref<72x64xf32, #tpu.memory_space<vmem>>)
      %parallel_loop3A_221 = arith.constant 0 : i32
      %parallel_loop3A_222 = arith.constant 200 : i32
      %parallel_loop3A_223 = arith.constant 1 : i32
      scf.for %parallel_loop3A_261 = %parallel_loop3A_221 to %parallel_loop3A_222 step %parallel_loop3A_223  : i32 {
        %parallel_loop3A_262 = arith.constant 0 : i32
        %parallel_loop3A_263 = arith.index_cast %parallel_loop3A_262 : i32 to index
        %parallel_loop3A_264 = arith.index_cast %parallel_loop3A_261 : i32 to index
        %parallel_loop3A_265 = arith.constant 0 : index
        %parallel_loop3A_266 = tpu.vector_load %arg9[%parallel_loop3A_263, %parallel_loop3A_264, %parallel_loop3A_265] {strides = array<i32>} : memref<2x200x64xf32, #tpu.memory_space<vmem>>, vector<1x1x16xf32>,
        %parallel_loop3A_267 = vector.shape_cast %parallel_loop3A_266 : vector<1x1x16xf32> to vector<16xf32>
        %parallel_loop3A_268 = arith.constant 64 : i32
        %parallel_loop3A_269 = arith.muli %parallel_loop3A_261, %parallel_loop3A_268 : i32
        %parallel_loop3A_270 = arith.constant 0 : i32
        %parallel_loop3A_271 = arith.addi %parallel_loop3A_269, %parallel_loop3A_270 : i32
        %parallel_loop3A_272 = arith.index_cast %parallel_loop3A_271 : i32 to index
        %parallel_loop3A_273 = tpu.vector_load %arg10[%parallel_loop3A_272] {strides = array<i32>} : memref<12800xf32, #tpu.memory_space<vmem>>, vector<16xf32>,
        %parallel_loop3A_274 = vector.shape_cast %parallel_loop3A_273 : vector<16xf32> to vector<16xf32>
        %parallel_loop3A_275 = arith.addf %parallel_loop3A_267, %parallel_loop3A_274 : vector<16xf32>
        %parallel_loop3A_276 = arith.constant 0 : i32
        %parallel_loop3A_277 = arith.index_cast %parallel_loop3A_276 : i32 to index
        %parallel_loop3A_278 = arith.index_cast %parallel_loop3A_261 : i32 to index
        %parallel_loop3A_279 = arith.constant 0 : index
        %parallel_loop3A_280 = tpu.vector_load %arg9[%parallel_loop3A_277, %parallel_loop3A_278, %parallel_loop3A_279] {strides = array<i32>} : memref<2x200x64xf32, #tpu.memory_space<vmem>>, vector<1x1x16xf32>,
        %parallel_loop3A_281 = vector.shape_cast %parallel_loop3A_280 : vector<1x1x16xf32> to vector<16xf32>
        %parallel_loop3A_282 = vector.shape_cast %parallel_loop3A_275 : vector<16xf32> to vector<1x1x16xf32>
        tpu.vector_store %arg9[%parallel_loop3A_277, %parallel_loop3A_278, %parallel_loop3A_279], %parallel_loop3A_282 {strides = array<i32>} : memref<2x200x64xf32, #tpu.memory_space<vmem>>, vector<1x1x16xf32>,
        %parallel_loop3A_283 = arith.constant 0 : i32
        %parallel_loop3A_284 = arith.index_cast %parallel_loop3A_283 : i32 to index
        %parallel_loop3A_285 = arith.index_cast %parallel_loop3A_261 : i32 to index
        %parallel_loop3A_286 = arith.constant 16 : index
        %parallel_loop3A_287 = tpu.vector_load %arg9[%parallel_loop3A_284, %parallel_loop3A_285, %parallel_loop3A_286] {strides = array<i32>} : memref<2x200x64xf32, #tpu.memory_space<vmem>>, vector<1x1x16xf32>,
        %parallel_loop3A_288 = vector.shape_cast %parallel_loop3A_287 : vector<1x1x16xf32> to vector<16xf32>
        %parallel_loop3A_289 = arith.constant 64 : i32
        %parallel_loop3A_290 = arith.muli %parallel_loop3A_261, %parallel_loop3A_289 : i32
        %parallel_loop3A_291 = arith.constant 16 : i32
        %parallel_loop3A_292 = arith.addi %parallel_loop3A_290, %parallel_loop3A_291 : i32
        %parallel_loop3A_293 = arith.index_cast %parallel_loop3A_292 : i32 to index
        %parallel_loop3A_294 = tpu.vector_load %arg10[%parallel_loop3A_293] {strides = array<i32>} : memref<12800xf32, #tpu.memory_space<vmem>>, vector<16xf32>,
        %parallel_loop3A_295 = vector.shape_cast %parallel_loop3A_294 : vector<16xf32> to vector<16xf32>
        %parallel_loop3A_296 = arith.addf %parallel_loop3A_288, %parallel_loop3A_295 : vector<16xf32>
        %parallel_loop3A_297 = arith.constant 0 : i32
        %parallel_loop3A_298 = arith.index_cast %parallel_loop3A_297 : i32 to index
        %parallel_loop3A_299 = arith.index_cast %parallel_loop3A_261 : i32 to index
        %parallel_loop3A_300 = arith.constant 16 : index
        %parallel_loop3A_301 = tpu.vector_load %arg9[%parallel_loop3A_298, %parallel_loop3A_299, %parallel_loop3A_300] {strides = array<i32>} : memref<2x200x64xf32, #tpu.memory_space<vmem>>, vector<1x1x16xf32>,
        %parallel_loop3A_302 = vector.shape_cast %parallel_loop3A_301 : vector<1x1x16xf32> to vector<16xf32>
        %parallel_loop3A_303 = vector.shape_cast %parallel_loop3A_296 : vector<16xf32> to vector<1x1x16xf32>
        tpu.vector_store %arg9[%parallel_loop3A_298, %parallel_loop3A_299, %parallel_loop3A_300], %parallel_loop3A_303 {strides = array<i32>} : memref<2x200x64xf32, #tpu.memory_space<vmem>>, vector<1x1x16xf32>,
        %parallel_loop3A_304 = arith.constant 0 : i32
        %parallel_loop3A_305 = arith.index_cast %parallel_loop3A_304 : i32 to index
        %parallel_loop3A_306 = arith.index_cast %parallel_loop3A_261 : i32 to index
        %parallel_loop3A_307 = arith.constant 32 : index
        %parallel_loop3A_308 = tpu.vector_load %arg9[%parallel_loop3A_305, %parallel_loop3A_306, %parallel_loop3A_307] {strides = array<i32>} : memref<2x200x64xf32, #tpu.memory_space<vmem>>, vector<1x1x16xf32>,
        %parallel_loop3A_309 = vector.shape_cast %parallel_loop3A_308 : vector<1x1x16xf32> to vector<16xf32>
        %parallel_loop3A_310 = arith.constant 64 : i32
        %parallel_loop3A_311 = arith.muli %parallel_loop3A_261, %parallel_loop3A_310 : i32
        %parallel_loop3A_312 = arith.constant 32 : i32
        %parallel_loop3A_313 = arith.addi %parallel_loop3A_311, %parallel_loop3A_312 : i32
        %parallel_loop3A_314 = arith.index_cast %parallel_loop3A_313 : i32 to index
        %parallel_loop3A_315 = tpu.vector_load %arg10[%parallel_loop3A_314] {strides = array<i32>} : memref<12800xf32, #tpu.memory_space<vmem>>, vector<16xf32>,
        %parallel_loop3A_316 = vector.shape_cast %parallel_loop3A_315 : vector<16xf32> to vector<16xf32>
        %parallel_loop3A_317 = arith.addf %parallel_loop3A_309, %parallel_loop3A_316 : vector<16xf32>
        %parallel_loop3A_318 = arith.constant 0 : i32
        %parallel_loop3A_319 = arith.index_cast %parallel_loop3A_318 : i32 to index
        %parallel_loop3A_320 = arith.index_cast %parallel_loop3A_261 : i32 to index
        %parallel_loop3A_321 = arith.constant 32 : index
        %parallel_loop3A_322 = tpu.vector_load %arg9[%parallel_loop3A_319, %parallel_loop3A_320, %parallel_loop3A_321] {strides = array<i32>} : memref<2x200x64xf32, #tpu.memory_space<vmem>>, vector<1x1x16xf32>,
        %parallel_loop3A_323 = vector.shape_cast %parallel_loop3A_322 : vector<1x1x16xf32> to vector<16xf32>
        %parallel_loop3A_324 = vector.shape_cast %parallel_loop3A_317 : vector<16xf32> to vector<1x1x16xf32>
        tpu.vector_store %arg9[%parallel_loop3A_319, %parallel_loop3A_320, %parallel_loop3A_321], %parallel_loop3A_324 {strides = array<i32>} : memref<2x200x64xf32, #tpu.memory_space<vmem>>, vector<1x1x16xf32>,
        %parallel_loop3A_325 = arith.constant 0 : i32
        %parallel_loop3A_326 = arith.index_cast %parallel_loop3A_325 : i32 to index
        %parallel_loop3A_327 = arith.index_cast %parallel_loop3A_261 : i32 to index
        %parallel_loop3A_328 = arith.constant 48 : index
        %parallel_loop3A_329 = tpu.vector_load %arg9[%parallel_loop3A_326, %parallel_loop3A_327, %parallel_loop3A_328] {strides = array<i32>} : memref<2x200x64xf32, #tpu.memory_space<vmem>>, vector<1x1x16xf32>,
        %parallel_loop3A_330 = vector.shape_cast %parallel_loop3A_329 : vector<1x1x16xf32> to vector<16xf32>
        %parallel_loop3A_331 = arith.constant 64 : i32
        %parallel_loop3A_332 = arith.muli %parallel_loop3A_261, %parallel_loop3A_331 : i32
        %parallel_loop3A_333 = arith.constant 48 : i32
        %parallel_loop3A_334 = arith.addi %parallel_loop3A_332, %parallel_loop3A_333 : i32
        %parallel_loop3A_335 = arith.index_cast %parallel_loop3A_334 : i32 to index
        %parallel_loop3A_336 = tpu.vector_load %arg10[%parallel_loop3A_335] {strides = array<i32>} : memref<12800xf32, #tpu.memory_space<vmem>>, vector<16xf32>,
        %parallel_loop3A_337 = vector.shape_cast %parallel_loop3A_336 : vector<16xf32> to vector<16xf32>
        %parallel_loop3A_338 = arith.addf %parallel_loop3A_330, %parallel_loop3A_337 : vector<16xf32>
        %parallel_loop3A_339 = arith.constant 0 : i32
        %parallel_loop3A_340 = arith.index_cast %parallel_loop3A_339 : i32 to index
        %parallel_loop3A_341 = arith.index_cast %parallel_loop3A_261 : i32 to index
        %parallel_loop3A_342 = arith.constant 48 : index
        %parallel_loop3A_343 = tpu.vector_load %arg9[%parallel_loop3A_340, %parallel_loop3A_341, %parallel_loop3A_342] {strides = array<i32>} : memref<2x200x64xf32, #tpu.memory_space<vmem>>, vector<1x1x16xf32>,
        %parallel_loop3A_344 = vector.shape_cast %parallel_loop3A_343 : vector<1x1x16xf32> to vector<16xf32>
        %parallel_loop3A_345 = vector.shape_cast %parallel_loop3A_338 : vector<16xf32> to vector<1x1x16xf32>
        tpu.vector_store %arg9[%parallel_loop3A_340, %parallel_loop3A_341, %parallel_loop3A_342], %parallel_loop3A_345 {strides = array<i32>} : memref<2x200x64xf32, #tpu.memory_space<vmem>>, vector<1x1x16xf32>,
      } {sc.loop_unroll_factor = 4 : i64, sc.parallel_access}
      %parallel_loop3A_224 = arith.constant 0 : i32
      %parallel_loop3A_225 = arith.constant 200 : i32
      %parallel_loop3A_226 = arith.constant 1 : i32
      scf.for %parallel_loop3A_261 = %parallel_loop3A_224 to %parallel_loop3A_225 step %parallel_loop3A_226  : i32 {
        %parallel_loop3A_262 = arith.constant 1 : i32
        %parallel_loop3A_263 = arith.index_cast %parallel_loop3A_262 : i32 to index
        %parallel_loop3A_264 = arith.index_cast %parallel_loop3A_261 : i32 to index
        %parallel_loop3A_265 = arith.constant 0 : index
        %parallel_loop3A_266 = tpu.vector_load %arg9[%parallel_loop3A_263, %parallel_loop3A_264, %parallel_loop3A_265] {strides = array<i32>} : memref<2x200x64xf32, #tpu.memory_space<vmem>>, vector<1x1x16xf32>,
        %parallel_loop3A_267 = vector.shape_cast %parallel_loop3A_266 : vector<1x1x16xf32> to vector<16xf32>
        %parallel_loop3A_268 = arith.constant 64 : i32
        %parallel_loop3A_269 = arith.muli %parallel_loop3A_261, %parallel_loop3A_268 : i32
        %parallel_loop3A_270 = arith.constant 0 : i32
        %parallel_loop3A_271 = arith.addi %parallel_loop3A_269, %parallel_loop3A_270 : i32
        %parallel_loop3A_272 = arith.index_cast %parallel_loop3A_271 : i32 to index
        %parallel_loop3A_273 = tpu.vector_load %arg10[%parallel_loop3A_272] {strides = array<i32>} : memref<12800xf32, #tpu.memory_space<vmem>>, vector<16xf32>,
        %parallel_loop3A_274 = vector.shape_cast %parallel_loop3A_273 : vector<16xf32> to vector<16xf32>
        %parallel_loop3A_275 = arith.addf %parallel_loop3A_267, %parallel_loop3A_274 : vector<16xf32>
        %parallel_loop3A_276 = arith.constant 1 : i32
        %parallel_loop3A_277 = arith.index_cast %parallel_loop3A_276 : i32 to index
        %parallel_loop3A_278 = arith.index_cast %parallel_loop3A_261 : i32 to index
        %parallel_loop3A_279 = arith.constant 0 : index
        %parallel_loop3A_280 = tpu.vector_load %arg9[%parallel_loop3A_277, %parallel_loop3A_278, %parallel_loop3A_279] {strides = array<i32>} : memref<2x200x64xf32, #tpu.memory_space<vmem>>, vector<1x1x16xf32>,
        %parallel_loop3A_281 = vector.shape_cast %parallel_loop3A_280 : vector<1x1x16xf32> to vector<16xf32>
        %parallel_loop3A_282 = vector.shape_cast %parallel_loop3A_275 : vector<16xf32> to vector<1x1x16xf32>
        tpu.vector_store %arg9[%parallel_loop3A_277, %parallel_loop3A_278, %parallel_loop3A_279], %parallel_loop3A_282 {strides = array<i32>} : memref<2x200x64xf32, #tpu.memory_space<vmem>>, vector<1x1x16xf32>,
        %parallel_loop3A_283 = arith.constant 1 : i32
        %parallel_loop3A_284 = arith.index_cast %parallel_loop3A_283 : i32 to index
        %parallel_loop3A_285 = arith.index_cast %parallel_loop3A_261 : i32 to index
        %parallel_loop3A_286 = arith.constant 16 : index
        %parallel_loop3A_287 = tpu.vector_load %arg9[%parallel_loop3A_284, %parallel_loop3A_285, %parallel_loop3A_286] {strides = array<i32>} : memref<2x200x64xf32, #tpu.memory_space<vmem>>, vector<1x1x16xf32>,
        %parallel_loop3A_288 = vector.shape_cast %parallel_loop3A_287 : vector<1x1x16xf32> to vector<16xf32>
        %parallel_loop3A_289 = arith.constant 64 : i32
        %parallel_loop3A_290 = arith.muli %parallel_loop3A_261, %parallel_loop3A_289 : i32
        %parallel_loop3A_291 = arith.constant 16 : i32
        %parallel_loop3A_292 = arith.addi %parallel_loop3A_290, %parallel_loop3A_291 : i32
        %parallel_loop3A_293 = arith.index_cast %parallel_loop3A_292 : i32 to index
        %parallel_loop3A_294 = tpu.vector_load %arg10[%parallel_loop3A_293] {strides = array<i32>} : memref<12800xf32, #tpu.memory_space<vmem>>, vector<16xf32>,
        %parallel_loop3A_295 = vector.shape_cast %parallel_loop3A_294 : vector<16xf32> to vector<16xf32>
        %parallel_loop3A_296 = arith.addf %parallel_loop3A_288, %parallel_loop3A_295 : vector<16xf32>
        %parallel_loop3A_297 = arith.constant 1 : i32
        %parallel_loop3A_298 = arith.index_cast %parallel_loop3A_297 : i32 to index
        %parallel_loop3A_299 = arith.index_cast %parallel_loop3A_261 : i32 to index
        %parallel_loop3A_300 = arith.constant 16 : index
        %parallel_loop3A_301 = tpu.vector_load %arg9[%parallel_loop3A_298, %parallel_loop3A_299, %parallel_loop3A_300] {strides = array<i32>} : memref<2x200x64xf32, #tpu.memory_space<vmem>>, vector<1x1x16xf32>,
        %parallel_loop3A_302 = vector.shape_cast %parallel_loop3A_301 : vector<1x1x16xf32> to vector<16xf32>
        %parallel_loop3A_303 = vector.shape_cast %parallel_loop3A_296 : vector<16xf32> to vector<1x1x16xf32>
        tpu.vector_store %arg9[%parallel_loop3A_298, %parallel_loop3A_299, %parallel_loop3A_300], %parallel_loop3A_303 {strides = array<i32>} : memref<2x200x64xf32, #tpu.memory_space<vmem>>, vector<1x1x16xf32>,
        %parallel_loop3A_304 = arith.constant 1 : i32
        %parallel_loop3A_305 = arith.index_cast %parallel_loop3A_304 : i32 to index
        %parallel_loop3A_306 = arith.index_cast %parallel_loop3A_261 : i32 to index
        %parallel_loop3A_307 = arith.constant 32 : index
        %parallel_loop3A_308 = tpu.vector_load %arg9[%parallel_loop3A_305, %parallel_loop3A_306, %parallel_loop3A_307] {strides = array<i32>} : memref<2x200x64xf32, #tpu.memory_space<vmem>>, vector<1x1x16xf32>,
        %parallel_loop3A_309 = vector.shape_cast %parallel_loop3A_308 : vector<1x1x16xf32> to vector<16xf32>
        %parallel_loop3A_310 = arith.constant 64 : i32
        %parallel_loop3A_311 = arith.muli %parallel_loop3A_261, %parallel_loop3A_310 : i32
        %parallel_loop3A_312 = arith.constant 32 : i32
        %parallel_loop3A_313 = arith.addi %parallel_loop3A_311, %parallel_loop3A_312 : i32
        %parallel_loop3A_314 = arith.index_cast %parallel_loop3A_313 : i32 to index
        %parallel_loop3A_315 = tpu.vector_load %arg10[%parallel_loop3A_314] {strides = array<i32>} : memref<12800xf32, #tpu.memory_space<vmem>>, vector<16xf32>,
        %parallel_loop3A_316 = vector.shape_cast %parallel_loop3A_315 : vector<16xf32> to vector<16xf32>
        %parallel_loop3A_317 = arith.addf %parallel_loop3A_309, %parallel_loop3A_316 : vector<16xf32>
        %parallel_loop3A_318 = arith.constant 1 : i32
        %parallel_loop3A_319 = arith.index_cast %parallel_loop3A_318 : i32 to index
        %parallel_loop3A_320 = arith.index_cast %parallel_loop3A_261 : i32 to index
        %parallel_loop3A_321 = arith.constant 32 : index
        %parallel_loop3A_322 = tpu.vector_load %arg9[%parallel_loop3A_319, %parallel_loop3A_320, %parallel_loop3A_321] {strides = array<i32>} : memref<2x200x64xf32, #tpu.memory_space<vmem>>, vector<1x1x16xf32>,
        %parallel_loop3A_323 = vector.shape_cast %parallel_loop3A_322 : vector<1x1x16xf32> to vector<16xf32>
        %parallel_loop3A_324 = vector.shape_cast %parallel_loop3A_317 : vector<16xf32> to vector<1x1x16xf32>
        tpu.vector_store %arg9[%parallel_loop3A_319, %parallel_loop3A_320, %parallel_loop3A_321], %parallel_loop3A_324 {strides = array<i32>} : memref<2x200x64xf32, #tpu.memory_space<vmem>>, vector<1x1x16xf32>,
        %parallel_loop3A_325 = arith.constant 1 : i32
        %parallel_loop3A_326 = arith.index_cast %parallel_loop3A_325 : i32 to index
        %parallel_loop3A_327 = arith.index_cast %parallel_loop3A_261 : i32 to index
        %parallel_loop3A_328 = arith.constant 48 : index
        %parallel_loop3A_329 = tpu.vector_load %arg9[%parallel_loop3A_326, %parallel_loop3A_327, %parallel_loop3A_328] {strides = array<i32>} : memref<2x200x64xf32, #tpu.memory_space<vmem>>, vector<1x1x16xf32>,
        %parallel_loop3A_330 = vector.shape_cast %parallel_loop3A_329 : vector<1x1x16xf32> to vector<16xf32>
        %parallel_loop3A_331 = arith.constant 64 : i32
        %parallel_loop3A_332 = arith.muli %parallel_loop3A_261, %parallel_loop3A_331 : i32
        %parallel_loop3A_333 = arith.constant 48 : i32
        %parallel_loop3A_334 = arith.addi %parallel_loop3A_332, %parallel_loop3A_333 : i32
        %parallel_loop3A_335 = arith.index_cast %parallel_loop3A_334 : i32 to index
        %parallel_loop3A_336 = tpu.vector_load %arg10[%parallel_loop3A_335] {strides = array<i32>} : memref<12800xf32, #tpu.memory_space<vmem>>, vector<16xf32>,
        %parallel_loop3A_337 = vector.shape_cast %parallel_loop3A_336 : vector<16xf32> to vector<16xf32>
        %parallel_loop3A_338 = arith.addf %parallel_loop3A_330, %parallel_loop3A_337 : vector<16xf32>
        %parallel_loop3A_339 = arith.constant 1 : i32
        %parallel_loop3A_340 = arith.index_cast %parallel_loop3A_339 : i32 to index
        %parallel_loop3A_341 = arith.index_cast %parallel_loop3A_261 : i32 to index
        %parallel_loop3A_342 = arith.constant 48 : index
        %parallel_loop3A_343 = tpu.vector_load %arg9[%parallel_loop3A_340, %parallel_loop3A_341, %parallel_loop3A_342] {strides = array<i32>} : memref<2x200x64xf32, #tpu.memory_space<vmem>>, vector<1x1x16xf32>,
        %parallel_loop3A_344 = vector.shape_cast %parallel_loop3A_343 : vector<1x1x16xf32> to vector<16xf32>
        %parallel_loop3A_345 = vector.shape_cast %parallel_loop3A_338 : vector<16xf32> to vector<1x1x16xf32>
        tpu.vector_store %arg9[%parallel_loop3A_340, %parallel_loop3A_341, %parallel_loop3A_342], %parallel_loop3A_345 {strides = array<i32>} : memref<2x200x64xf32, #tpu.memory_space<vmem>>, vector<1x1x16xf32>,
      } {sc.loop_unroll_factor = 4 : i64, sc.parallel_access}
      %mul3A_227 = arith.constant 2 : i32
      %mul3A_228 = arith.muli %add3A_111, %mul3A_227 : i32
      %add3A_229 = arith.addi %mul3A_2, %mul3A_228 : i32
      %dma_start3A_230 = arith.constant 0 : i32
      %dma_start3A_231 = arith.constant 0 : i32
      %dma_start3A_232 = tpu.memref_slice %arg5[%add3A_229, %dma_start3A_230, %dma_start3A_231] : memref<4096x200x64xf32, #tpu.memory_space<hbm>> -> memref<2x200x64xf32, #tpu.memory_space<hbm>>
      %dma_start3A_233 = arith.constant 0 : i32
      %dma_start3A_234 = arith.constant 0 : i32
      %dma_start3A_235 = tpu.memref_slice %arg5[%add3A_229, %dma_start3A_233, %dma_start3A_234] : memref<4096x200x64xf32, #tpu.memory_space<hbm>> -> memref<2x200x64xf32, #tpu.memory_space<hbm>>
      tpu.enqueue_dma source(%arg9 : memref<2x200x64xf32, #tpu.memory_space<vmem>>) target(%dma_start3A_235 : memref<2x200x64xf32, #tpu.memory_space<hbm>>) target_semaphore(%arg14 : memref<!tpu.dma_semaphore, #tpu.memory_space<semaphore_mem>>)
      %mul3A_236 = arith.constant 2 : i32
      %mul3A_237 = arith.muli %mul3A_109, %mul3A_236 : i32
      %add3A_238 = arith.addi %mul3A_2, %mul3A_237 : i32
      %dma_wait3A_239 = arith.constant 0 : i32
      %dma_wait3A_240 = arith.constant 0 : i32
      %dma_wait3A_241 = tpu.memref_slice %arg5[%add3A_238, %dma_wait3A_239, %dma_wait3A_240] : memref<4096x200x64xf32, #tpu.memory_space<hbm>> -> memref<2x200x64xf32, #tpu.memory_space<hbm>>
      %dma_wait3A_242 = arith.constant 0 : i32
      %dma_wait3A_243 = arith.constant 0 : i32
      %dma_wait3A_244 = tpu.memref_slice %arg5[%add3A_238, %dma_wait3A_242, %dma_wait3A_243] : memref<4096x200x64xf32, #tpu.memory_space<hbm>> -> memref<2x200x64xf32, #tpu.memory_space<hbm>>
      tpu.wait_dma2 semaphore(%arg13 : memref<!tpu.dma_semaphore, #tpu.memory_space<semaphore_mem>>) src(%arg8 : memref<2x200x64xf32, #tpu.memory_space<vmem>>) dst(%dma_wait3A_244 : memref<2x200x64xf32, #tpu.memory_space<hbm>>)
      %lt3A = arith.constant 31 : i32
      %lt3A_245 = arith.cmpi slt, %scan3A_107, %lt3A : i32
      %convert_element_type3A = arith.extui %lt3A_245 : i1 to i32
      %cond3A = arith.constant 0 : i32
      %cond3A_246 = arith.cmpi ne, %convert_element_type3A, %cond3A : i32
      scf.if %cond3A_246 {
        %add3A_261 = arith.constant 2 : i32
        %add3A_262 = arith.addi %mul3A_109, %add3A_261 : i32
        %mul3A_263 = arith.constant 2 : i32
        %mul3A_264 = arith.muli %add3A_262, %mul3A_263 : i32
        %add3A_265 = arith.addi %mul3A_2, %mul3A_264 : i32
        "tpu.region"() ({
          %run_scoped3A = tpu.sem_alloc : memref<!tpu.dma_semaphore, #tpu.memory_space<semaphore_mem>>
          %dma_start3A_314 = arith.constant 0 : i32
          %dma_start3A_315 = tpu.memref_slice %arg2[%add3A_265, %dma_start3A_314] : memref<4096x200xi32, #tpu.memory_space<hbm>> -> memref<2x200xi32, #tpu.memory_space<hbm>>
          %dma_start3A_316 = arith.constant 0 : i32
          %dma_start3A_317 = tpu.memref_slice %arg2[%add3A_265, %dma_start3A_316] : memref<4096x200xi32, #tpu.memory_space<hbm>> -> memref<2x200xi32, #tpu.memory_space<hbm>>
          tpu.enqueue_dma source(%dma_start3A_317 : memref<2x200xi32, #tpu.memory_space<hbm>>) target(%arg6 : memref<2x200xi32, #tpu.memory_space<vmem>>) target_semaphore(%run_scoped3A : memref<!tpu.dma_semaphore, #tpu.memory_space<semaphore_mem>>)
          %dma_wait3A_318 = arith.constant 0 : i32
          %dma_wait3A_319 = tpu.memref_slice %arg2[%add3A_265, %dma_wait3A_318] : memref<4096x200xi32, #tpu.memory_space<hbm>> -> memref<2x200xi32, #tpu.memory_space<hbm>>
          %dma_wait3A_320 = arith.constant 0 : i32
          %dma_wait3A_321 = tpu.memref_slice %arg2[%add3A_265, %dma_wait3A_320] : memref<4096x200xi32, #tpu.memory_space<hbm>> -> memref<2x200xi32, #tpu.memory_space<hbm>>
          tpu.wait_dma2 semaphore(%run_scoped3A : memref<!tpu.dma_semaphore, #tpu.memory_space<semaphore_mem>>) src(%dma_wait3A_321 : memref<2x200xi32, #tpu.memory_space<hbm>>) dst(%arg6 : memref<2x200xi32, #tpu.memory_space<vmem>>)
          tpu.yield
        }) : () -> ()
        %dma_start3A_266 = arith.constant 0 : i32
        %dma_start3A_267 = arith.constant 0 : i32
        %dma_start3A_268 = arith.constant 0 : i32
        %dma_start3A_269 = arith.constant 0 : i32
        %dma_start3A_270 = tpu.memref_slice %arg8[%dma_start3A_267, %dma_start3A_268, %dma_start3A_269] : memref<2x200x64xf32, #tpu.memory_space<vmem>> -> memref<1x128x64xf32, #tpu.memory_space<vmem>>
        %dma_start3A_271 = tpu.memref_squeeze %dma_start3A_270 : memref<1x128x64xf32, #tpu.memory_space<vmem>> -> memref<128x64xf32, #tpu.memory_space<vmem>>
        %dma_start3A_272 = arith.constant 0 : i32
        %dma_start3A_273 = tpu.memref_slice %arg6[%dma_start3A_266, %dma_start3A_272] : memref<2x200xi32, #tpu.memory_space<vmem>> -> memref<1x128xi32, #tpu.memory_space<vmem>>
        %dma_start3A_274 = tpu.memref_squeeze %dma_start3A_273 : memref<1x128xi32, #tpu.memory_space<vmem>> -> memref<128xi32, #tpu.memory_space<vmem>>
        %dma_start3A_275 = arith.constant 0 : i32
        %dma_start3A_276 = arith.constant 0 : i32
        %dma_start3A_277 = tpu.memref_slice %arg3[%dma_start3A_275, %dma_start3A_276] : memref<1000000x64xf32, #tpu.memory_space<hbm>> -> memref<1000000x64xf32, #tpu.memory_space<hbm>>
        tpu.enqueue_indirect_dma source(%dma_start3A_277 : memref<1000000x64xf32, #tpu.memory_space<hbm>>) target(%dma_start3A_271 : memref<128x64xf32, #tpu.memory_space<vmem>>) offsets(%dma_start3A_274 : memref<128xi32, #tpu.memory_space<vmem>>) semaphore(%arg11 : memref<!tpu.dma_semaphore, #tpu.memory_space<semaphore_mem>>)
        %dma_start3A_278 = arith.constant 0 : i32
        %dma_start3A_279 = arith.constant 0 : i32
        %dma_start3A_280 = arith.constant 128 : i32
        %dma_start3A_281 = arith.constant 0 : i32
        %dma_start3A_282 = tpu.memref_slice %arg8[%dma_start3A_279, %dma_start3A_280, %dma_start3A_281] : memref<2x200x64xf32, #tpu.memory_space<vmem>> -> memref<1x72x64xf32, #tpu.memory_space<vmem>>
        %dma_start3A_283 = tpu.memref_squeeze %dma_start3A_282 : memref<1x72x64xf32, #tpu.memory_space<vmem>> -> memref<72x64xf32, #tpu.memory_space<vmem>>
        %dma_start3A_284 = arith.constant 128 : i32
        %dma_start3A_285 = tpu.memref_slice %arg6[%dma_start3A_278, %dma_start3A_284] : memref<2x200xi32, #tpu.memory_space<vmem>> -> memref<1x72xi32, #tpu.memory_space<vmem>>
        %dma_start3A_286 = tpu.memref_squeeze %dma_start3A_285 : memref<1x72xi32, #tpu.memory_space<vmem>> -> memref<72xi32, #tpu.memory_space<vmem>>
        %dma_start3A_287 = arith.constant 0 : i32
        %dma_start3A_288 = arith.constant 0 : i32
        %dma_start3A_289 = tpu.memref_slice %arg3[%dma_start3A_287, %dma_start3A_288] : memref<1000000x64xf32, #tpu.memory_space<hbm>> -> memref<1000000x64xf32, #tpu.memory_space<hbm>>
        tpu.enqueue_indirect_dma source(%dma_start3A_289 : memref<1000000x64xf32, #tpu.memory_space<hbm>>) target(%dma_start3A_283 : memref<72x64xf32, #tpu.memory_space<vmem>>) offsets(%dma_start3A_286 : memref<72xi32, #tpu.memory_space<vmem>>) semaphore(%arg11 : memref<!tpu.dma_semaphore, #tpu.memory_space<semaphore_mem>>)
        %dma_start3A_290 = arith.constant 1 : i32
        %dma_start3A_291 = arith.constant 1 : i32
        %dma_start3A_292 = arith.constant 0 : i32
        %dma_start3A_293 = arith.constant 0 : i32
        %dma_start3A_294 = tpu.memref_slice %arg8[%dma_start3A_291, %dma_start3A_292, %dma_start3A_293] : memref<2x200x64xf32, #tpu.memory_space<vmem>> -> memref<1x128x64xf32, #tpu.memory_space<vmem>>
        %dma_start3A_295 = tpu.memref_squeeze %dma_start3A_294 : memref<1x128x64xf32, #tpu.memory_space<vmem>> -> memref<128x64xf32, #tpu.memory_space<vmem>>
        %dma_start3A_296 = arith.constant 0 : i32
        %dma_start3A_297 = tpu.memref_slice %arg6[%dma_start3A_290, %dma_start3A_296] : memref<2x200xi32, #tpu.memory_space<vmem>> -> memref<1x128xi32, #tpu.memory_space<vmem>>
        %dma_start3A_298 = tpu.memref_squeeze %dma_start3A_297 : memref<1x128xi32, #tpu.memory_space<vmem>> -> memref<128xi32, #tpu.memory_space<vmem>>
        %dma_start3A_299 = arith.constant 0 : i32
        %dma_start3A_300 = arith.constant 0 : i32
        %dma_start3A_301 = tpu.memref_slice %arg3[%dma_start3A_299, %dma_start3A_300] : memref<1000000x64xf32, #tpu.memory_space<hbm>> -> memref<1000000x64xf32, #tpu.memory_space<hbm>>
        tpu.enqueue_indirect_dma source(%dma_start3A_301 : memref<1000000x64xf32, #tpu.memory_space<hbm>>) target(%dma_start3A_295 : memref<128x64xf32, #tpu.memory_space<vmem>>) offsets(%dma_start3A_298 : memref<128xi32, #tpu.memory_space<vmem>>) semaphore(%arg11 : memref<!tpu.dma_semaphore, #tpu.memory_space<semaphore_mem>>)
        %dma_start3A_302 = arith.constant 1 : i32
        %dma_start3A_303 = arith.constant 1 : i32
        %dma_start3A_304 = arith.constant 128 : i32
        %dma_start3A_305 = arith.constant 0 : i32
        %dma_start3A_306 = tpu.memref_slice %arg8[%dma_start3A_303, %dma_start3A_304, %dma_start3A_305] : memref<2x200x64xf32, #tpu.memory_space<vmem>> -> memref<1x72x64xf32, #tpu.memory_space<vmem>>
        %dma_start3A_307 = tpu.memref_squeeze %dma_start3A_306 : memref<1x72x64xf32, #tpu.memory_space<vmem>> -> memref<72x64xf32, #tpu.memory_space<vmem>>
        %dma_start3A_308 = arith.constant 128 : i32
        %dma_start3A_309 = tpu.memref_slice %arg6[%dma_start3A_302, %dma_start3A_308] : memref<2x200xi32, #tpu.memory_space<vmem>> -> memref<1x72xi32, #tpu.memory_space<vmem>>
        %dma_start3A_310 = tpu.memref_squeeze %dma_start3A_309 : memref<1x72xi32, #tpu.memory_space<vmem>> -> memref<72xi32, #tpu.memory_space<vmem>>
        %dma_start3A_311 = arith.constant 0 : i32
        %dma_start3A_312 = arith.constant 0 : i32
        %dma_start3A_313 = tpu.memref_slice %arg3[%dma_start3A_311, %dma_start3A_312] : memref<1000000x64xf32, #tpu.memory_space<hbm>> -> memref<1000000x64xf32, #tpu.memory_space<hbm>>
        tpu.enqueue_indirect_dma source(%dma_start3A_313 : memref<1000000x64xf32, #tpu.memory_space<hbm>>) target(%dma_start3A_307 : memref<72x64xf32, #tpu.memory_space<vmem>>) offsets(%dma_start3A_310 : memref<72xi32, #tpu.memory_space<vmem>>) semaphore(%arg11 : memref<!tpu.dma_semaphore, #tpu.memory_space<semaphore_mem>>)
      } else {
      }
      %mul3A_247 = arith.constant 2 : i32
      %mul3A_248 = arith.muli %add3A_111, %mul3A_247 : i32
      %add3A_249 = arith.addi %mul3A_2, %mul3A_248 : i32
      %dma_wait3A_250 = arith.constant 0 : i32
      %dma_wait3A_251 = arith.constant 0 : i32
      %dma_wait3A_252 = tpu.memref_slice %arg5[%add3A_249, %dma_wait3A_250, %dma_wait3A_251] : memref<4096x200x64xf32, #tpu.memory_space<hbm>> -> memref<2x200x64xf32, #tpu.memory_space<hbm>>
      %dma_wait3A_253 = arith.constant 0 : i32
      %dma_wait3A_254 = arith.constant 0 : i32
      %dma_wait3A_255 = tpu.memref_slice %arg5[%add3A_249, %dma_wait3A_253, %dma_wait3A_254] : memref<4096x200x64xf32, #tpu.memory_space<hbm>> -> memref<2x200x64xf32, #tpu.memory_space<hbm>>
      tpu.wait_dma2 semaphore(%arg14 : memref<!tpu.dma_semaphore, #tpu.memory_space<semaphore_mem>>) src(%arg9 : memref<2x200x64xf32, #tpu.memory_space<vmem>>) dst(%dma_wait3A_255 : memref<2x200x64xf32, #tpu.memory_space<hbm>>)
      %lt3A_256 = arith.constant 31 : i32
      %lt3A_257 = arith.cmpi slt, %scan3A_107, %lt3A_256 : i32
      %convert_element_type3A_258 = arith.extui %lt3A_257 : i1 to i32
      %cond3A_259 = arith.constant 0 : i32
      %cond3A_260 = arith.cmpi ne, %convert_element_type3A_258, %cond3A_259 : i32
      scf.if %cond3A_260 {
        %add3A_261 = arith.constant 2 : i32
        %add3A_262 = arith.addi %add3A_111, %add3A_261 : i32
        %mul3A_263 = arith.constant 2 : i32
        %mul3A_264 = arith.muli %add3A_262, %mul3A_263 : i32
        %add3A_265 = arith.addi %mul3A_2, %mul3A_264 : i32
        "tpu.region"() ({
          %run_scoped3A = tpu.sem_alloc : memref<!tpu.dma_semaphore, #tpu.memory_space<semaphore_mem>>
          %dma_start3A_314 = arith.constant 0 : i32
          %dma_start3A_315 = tpu.memref_slice %arg2[%add3A_265, %dma_start3A_314] : memref<4096x200xi32, #tpu.memory_space<hbm>> -> memref<2x200xi32, #tpu.memory_space<hbm>>
          %dma_start3A_316 = arith.constant 0 : i32
          %dma_start3A_317 = tpu.memref_slice %arg2[%add3A_265, %dma_start3A_316] : memref<4096x200xi32, #tpu.memory_space<hbm>> -> memref<2x200xi32, #tpu.memory_space<hbm>>
          tpu.enqueue_dma source(%dma_start3A_317 : memref<2x200xi32, #tpu.memory_space<hbm>>) target(%arg7 : memref<2x200xi32, #tpu.memory_space<vmem>>) target_semaphore(%run_scoped3A : memref<!tpu.dma_semaphore, #tpu.memory_space<semaphore_mem>>)
          %dma_wait3A_318 = arith.constant 0 : i32
          %dma_wait3A_319 = tpu.memref_slice %arg2[%add3A_265, %dma_wait3A_318] : memref<4096x200xi32, #tpu.memory_space<hbm>> -> memref<2x200xi32, #tpu.memory_space<hbm>>
          %dma_wait3A_320 = arith.constant 0 : i32
          %dma_wait3A_321 = tpu.memref_slice %arg2[%add3A_265, %dma_wait3A_320] : memref<4096x200xi32, #tpu.memory_space<hbm>> -> memref<2x200xi32, #tpu.memory_space<hbm>>
          tpu.wait_dma2 semaphore(%run_scoped3A : memref<!tpu.dma_semaphore, #tpu.memory_space<semaphore_mem>>) src(%dma_wait3A_321 : memref<2x200xi32, #tpu.memory_space<hbm>>) dst(%arg7 : memref<2x200xi32, #tpu.memory_space<vmem>>)
          tpu.yield
        }) : () -> ()
        %dma_start3A_266 = arith.constant 0 : i32
        %dma_start3A_267 = arith.constant 0 : i32
        %dma_start3A_268 = arith.constant 0 : i32
        %dma_start3A_269 = arith.constant 0 : i32
        %dma_start3A_270 = tpu.memref_slice %arg9[%dma_start3A_267, %dma_start3A_268, %dma_start3A_269] : memref<2x200x64xf32, #tpu.memory_space<vmem>> -> memref<1x128x64xf32, #tpu.memory_space<vmem>>
        %dma_start3A_271 = tpu.memref_squeeze %dma_start3A_270 : memref<1x128x64xf32, #tpu.memory_space<vmem>> -> memref<128x64xf32, #tpu.memory_space<vmem>>
        %dma_start3A_272 = arith.constant 0 : i32
        %dma_start3A_273 = tpu.memref_slice %arg7[%dma_start3A_266, %dma_start3A_272] : memref<2x200xi32, #tpu.memory_space<vmem>> -> memref<1x128xi32, #tpu.memory_space<vmem>>
        %dma_start3A_274 = tpu.memref_squeeze %dma_start3A_273 : memref<1x128xi32, #tpu.memory_space<vmem>> -> memref<128xi32, #tpu.memory_space<vmem>>
        %dma_start3A_275 = arith.constant 0 : i32
        %dma_start3A_276 = arith.constant 0 : i32
        %dma_start3A_277 = tpu.memref_slice %arg3[%dma_start3A_275, %dma_start3A_276] : memref<1000000x64xf32, #tpu.memory_space<hbm>> -> memref<1000000x64xf32, #tpu.memory_space<hbm>>
        tpu.enqueue_indirect_dma source(%dma_start3A_277 : memref<1000000x64xf32, #tpu.memory_space<hbm>>) target(%dma_start3A_271 : memref<128x64xf32, #tpu.memory_space<vmem>>) offsets(%dma_start3A_274 : memref<128xi32, #tpu.memory_space<vmem>>) semaphore(%arg12 : memref<!tpu.dma_semaphore, #tpu.memory_space<semaphore_mem>>)
        %dma_start3A_278 = arith.constant 0 : i32
        %dma_start3A_279 = arith.constant 0 : i32
        %dma_start3A_280 = arith.constant 128 : i32
        %dma_start3A_281 = arith.constant 0 : i32
        %dma_start3A_282 = tpu.memref_slice %arg9[%dma_start3A_279, %dma_start3A_280, %dma_start3A_281] : memref<2x200x64xf32, #tpu.memory_space<vmem>> -> memref<1x72x64xf32, #tpu.memory_space<vmem>>
        %dma_start3A_283 = tpu.memref_squeeze %dma_start3A_282 : memref<1x72x64xf32, #tpu.memory_space<vmem>> -> memref<72x64xf32, #tpu.memory_space<vmem>>
        %dma_start3A_284 = arith.constant 128 : i32
        %dma_start3A_285 = tpu.memref_slice %arg7[%dma_start3A_278, %dma_start3A_284] : memref<2x200xi32, #tpu.memory_space<vmem>> -> memref<1x72xi32, #tpu.memory_space<vmem>>
        %dma_start3A_286 = tpu.memref_squeeze %dma_start3A_285 : memref<1x72xi32, #tpu.memory_space<vmem>> -> memref<72xi32, #tpu.memory_space<vmem>>
        %dma_start3A_287 = arith.constant 0 : i32
        %dma_start3A_288 = arith.constant 0 : i32
        %dma_start3A_289 = tpu.memref_slice %arg3[%dma_start3A_287, %dma_start3A_288] : memref<1000000x64xf32, #tpu.memory_space<hbm>> -> memref<1000000x64xf32, #tpu.memory_space<hbm>>
        tpu.enqueue_indirect_dma source(%dma_start3A_289 : memref<1000000x64xf32, #tpu.memory_space<hbm>>) target(%dma_start3A_283 : memref<72x64xf32, #tpu.memory_space<vmem>>) offsets(%dma_start3A_286 : memref<72xi32, #tpu.memory_space<vmem>>) semaphore(%arg12 : memref<!tpu.dma_semaphore, #tpu.memory_space<semaphore_mem>>)
        %dma_start3A_290 = arith.constant 1 : i32
        %dma_start3A_291 = arith.constant 1 : i32
        %dma_start3A_292 = arith.constant 0 : i32
        %dma_start3A_293 = arith.constant 0 : i32
        %dma_start3A_294 = tpu.memref_slice %arg9[%dma_start3A_291, %dma_start3A_292, %dma_start3A_293] : memref<2x200x64xf32, #tpu.memory_space<vmem>> -> memref<1x128x64xf32, #tpu.memory_space<vmem>>
        %dma_start3A_295 = tpu.memref_squeeze %dma_start3A_294 : memref<1x128x64xf32, #tpu.memory_space<vmem>> -> memref<128x64xf32, #tpu.memory_space<vmem>>
        %dma_start3A_296 = arith.constant 0 : i32
        %dma_start3A_297 = tpu.memref_slice %arg7[%dma_start3A_290, %dma_start3A_296] : memref<2x200xi32, #tpu.memory_space<vmem>> -> memref<1x128xi32, #tpu.memory_space<vmem>>
        %dma_start3A_298 = tpu.memref_squeeze %dma_start3A_297 : memref<1x128xi32, #tpu.memory_space<vmem>> -> memref<128xi32, #tpu.memory_space<vmem>>
        %dma_start3A_299 = arith.constant 0 : i32
        %dma_start3A_300 = arith.constant 0 : i32
        %dma_start3A_301 = tpu.memref_slice %arg3[%dma_start3A_299, %dma_start3A_300] : memref<1000000x64xf32, #tpu.memory_space<hbm>> -> memref<1000000x64xf32, #tpu.memory_space<hbm>>
        tpu.enqueue_indirect_dma source(%dma_start3A_301 : memref<1000000x64xf32, #tpu.memory_space<hbm>>) target(%dma_start3A_295 : memref<128x64xf32, #tpu.memory_space<vmem>>) offsets(%dma_start3A_298 : memref<128xi32, #tpu.memory_space<vmem>>) semaphore(%arg12 : memref<!tpu.dma_semaphore, #tpu.memory_space<semaphore_mem>>)
        %dma_start3A_302 = arith.constant 1 : i32
        %dma_start3A_303 = arith.constant 1 : i32
        %dma_start3A_304 = arith.constant 128 : i32
        %dma_start3A_305 = arith.constant 0 : i32
        %dma_start3A_306 = tpu.memref_slice %arg9[%dma_start3A_303, %dma_start3A_304, %dma_start3A_305] : memref<2x200x64xf32, #tpu.memory_space<vmem>> -> memref<1x72x64xf32, #tpu.memory_space<vmem>>
        %dma_start3A_307 = tpu.memref_squeeze %dma_start3A_306 : memref<1x72x64xf32, #tpu.memory_space<vmem>> -> memref<72x64xf32, #tpu.memory_space<vmem>>
        %dma_start3A_308 = arith.constant 128 : i32
        %dma_start3A_309 = tpu.memref_slice %arg7[%dma_start3A_302, %dma_start3A_308] : memref<2x200xi32, #tpu.memory_space<vmem>> -> memref<1x72xi32, #tpu.memory_space<vmem>>
        %dma_start3A_310 = tpu.memref_squeeze %dma_start3A_309 : memref<1x72xi32, #tpu.memory_space<vmem>> -> memref<72xi32, #tpu.memory_space<vmem>>
        %dma_start3A_311 = arith.constant 0 : i32
        %dma_start3A_312 = arith.constant 0 : i32
        %dma_start3A_313 = tpu.memref_slice %arg3[%dma_start3A_311, %dma_start3A_312] : memref<1000000x64xf32, #tpu.memory_space<hbm>> -> memref<1000000x64xf32, #tpu.memory_space<hbm>>
        tpu.enqueue_indirect_dma source(%dma_start3A_313 : memref<1000000x64xf32, #tpu.memory_space<hbm>>) target(%dma_start3A_307 : memref<72x64xf32, #tpu.memory_space<vmem>>) offsets(%dma_start3A_310 : memref<72xi32, #tpu.memory_space<vmem>>) semaphore(%arg12 : memref<!tpu.dma_semaphore, #tpu.memory_space<semaphore_mem>>)
      } else {
      }
    }
    %scan3A_106 = arith.constant 32 : i32
    return
  }
}

</mosaic_0001>

<sc_bundles>
// kernel: kernel.3.cloned.1.call-start
scs
__scs_entry_jumppad:
0x0: {  	(pc) =	sbr.rel $0x88, $3  }
0x1: {  	(tag) =	ssettag $0x0;
	lr =	simm.s32 $0x1  }
0x2: {  	[smem:$0x3F9F] =	sst lr;
	_ =	strace $0xD0000000  }
0x3: {  	_ = 	snop  }
0x4: {  	_ = 	snop  }
0x5: {  	_ = 	snop  }
0x6: {  	_ = 	snop  }
0x7: {  	_ = 	snop  }
__scs_overlays_trampoline_lowered:
0x8: {  	[smem:$0x3FAE] =	sst s0  }
0x9: {  	[smem:$0x3FAF] =	sst s1  }
0xa: {  	[smem:$0x3FB0] =	sst s2  }
0xb: {  	[smem:$0x3FB1] =	sst s3  }
0xc: {  	[smem:$0x3FB2] =	sst s4  }
0xd: {  	[smem:$0x3FB3] =	sst s5  }
0xe: {  	[smem:$0x3FB4] =	sst s6  }
0xf: {  	[smem:$0x3FB5] =	sst s7  }
0x10: {  	[smem:$0x3FB6] =	sst s8  }
0x11: {  	[smem:$0x3FB7] =	sst s9;
	s0 =	simm.s32 @!p0 $0x0  }
0x12: {  	s1 =	sld [smem:$0x3F9D];
	s0 =	simm.s32 @p0 $0x1  }
0x13: {  	[smem:$0x3FB8] =	sst s0;
	s0 =	simm.s32 @!p1 $0x0  }
0x14: {  	s2 =	sld [smem:$0x3F9C];
	s0 =	simm.s32 @p1 $0x1  }
0x15: {  	[smem:$0x3FB9] =	sst s0;
	s0 =	simm.s32 @!p2 $0x0  }
0x16: {  	s3 =	sld [smem:$0x3FDB];
	s0 =	simm.s32 @p2 $0x1  }
0x17: {  	s4 =	simm.s32 $0x1BF5;
	[smem:$0x3FBB] =	sst s0  }
0x18: {  	s0 =	sld [smem:$0x3F9E];
	_ =	swait.ge [sflag:s4], $0x0  }
0x19: {  	s7 =	sld [smem:$0x3F9F]  }
0x1a: {  	s8 =	sadd.s32 $0xFFFFE003, lr  }
0x1b: {  	s9 =	sadd.s32 $0xFFFFFEF7, lr;
	s5 =	simm.s32 $0xFFFFFFFF;
	p2 =	slt.u32 s8, $0xFFFFF086  }
0x1c: {  	p1 =	slt.u32 s9, $0xF7A;
	s5 =	simm.s32 @!p2 $0x0  }
0x1d: {  	s5 =	simm.s32 @p1 $0x1;
	p0 =	seq.s32 s7, s2  }
0x1e: {  	s7 =	smul.u32 @!p0 $0xF7A, s2;
	p2 =	seq.s32 @!p0 s5, $0x0  }
0x1f: {  	s9 =	smul.u32 $0xF7A, s1;
	s8 =	simm.s32 @!p0 $0x1BF5;
	p2 =	por !p2, p0  }
0x20: {  	[sflag:s8] =	ssyncset.s32 @!p0 $0xFFFFF086;
	s6 =	sadd.s32 @!p0 s3, s7;
	s7 =	simm.s32 @!p0 $0x108  }
0x21: {  	s3 =	sadd.s32 s3, s9;
	s6 =	sadd.s32 @!p0 $0x88, s6;
	s7 =	simm.s32 @p2 $0x1082  }
0x22: {  	[simem:s7], [sflag:s8] =	dma.local @!p0 [hbm:s6], $0xF7A  }
0x23: {  	s9 =	sor.u32 $0xD0000000, s2;
	s6 =	simm.s32 $0x108;
	_ =	swait.ge @!p0 [sflag:s8], $0x0  }
0x24: {  	s3 =	sadd.s32 $0x88, s3;
	s6 =	simm.s32 @!p1 $0x1082;
	[sflag:s4] =	ssyncset.s32 $0xFFFFF086  }
0x25: {  	[simem:s6], [sflag:s4] =	dma.local [hbm:s3], $0xF7A  }
0x26: {  	[smem:$0x3F9F] =	sst s1;
	(tag) =	ssettag s2;
	_ =	strace s9  }
0x27: {  	s1 =	sld [smem:$0x3FAF]  }
0x28: {  	s2 =	sld [smem:$0x3FB0]  }
0x29: {  	s4 =	sld [smem:$0x3FB2]  }
0x2a: {  	p0 =	seq.s32 s5, $0x0;
	s5 =	sld [smem:$0x3FB3]  }
0x2b: {  	s6 =	sld [smem:$0x3FB4]  }
0x2c: {  	s7 =	sld [smem:$0x3FB5]  }
0x2d: {  	s3 =	simm.s32 $0x108;
	s8 =	sld [smem:$0x3FB6]  }
0x2e: {  	s3 =	simm.s32 @!p0 $0x1082;
	s9 =	sld [smem:$0x3FB7]  }
0x2f: {  	lr =	sadd.s32 s0, s3;
	s0 =	sld [smem:$0x3FAE]  }
0x30: {  	s3 =	sld [smem:$0x3FB1]  }
0x31: {  	[smem:$0x3FBA] =	sst s10  }
0x32: {  	s10 =	sld [smem:$0x3FB8];
	_ =	sdelay $0x3  }
0x33: {  	p0 =	seq.s32 s10, $0x1;
	s10 =	sld [smem:$0x3FBA];
	_ =	sdelay $0x3  }
0x34: {  	[smem:$0x3FBA] =	sst s10  }
0x35: {  	s10 =	sld [smem:$0x3FB9];
	_ =	sdelay $0x3  }
0x36: {  	p1 =	seq.s32 s10, $0x1;
	s10 =	sld [smem:$0x3FBA];
	_ =	sdelay $0x3  }
0x37: {  	[smem:$0x3FBA] =	sst s10  }
0x38: {  	s10 =	sld [smem:$0x3FBB]  }
0x39: {  	_ = 	snop;
	(pc) =	sbr.ind lr, $3  }
0x3a: {  	_ = 	snop  }
0x3b: {  	_ = 	snop  }
0x3c: {  	p2 =	seq.s32 s10, $0x1;
	s10 =	sld [smem:$0x3FBA]  }
0x3d: {  	_ =	shalt  }
0x3e: {  	_ =	shalt  }
0x3f: {  	_ =	shalt  }
0x40: {  	_ =	shalt  }
0x41: {  	_ =	shalt  }
0x42: {  	_ =	shalt  }
0x43: {  	_ =	shalt  }
0x44: {  	_ =	shalt  }
0x45: {  	_ =	shalt  }
0x46: {  	_ =	shalt  }
0x47: {  	_ =	shalt  }
0x48: {  	_ =	shalt  }
0x49: {  	_ =	shalt  }
0x4a: {  	_ =	shalt  }
0x4b: {  	_ =	shalt  }
0x4c: {  	_ =	shalt  }
0x4d: {  	_ =	shalt  }
0x4e: {  	_ =	shalt  }
0x4f: {  	_ =	shalt  }
0x50: {  	_ =	shalt  }
0x51: {  	_ =	shalt  }
0x52: {  	_ =	shalt  }
0x53: {  	_ =	shalt  }
0x54: {  	_ =	shalt  }
0x55: {  	_ =	shalt  }
0x56: {  	_ =	shalt  }
0x57: {  	_ =	shalt  }
0x58: {  	_ =	shalt  }
0x59: {  	_ =	shalt  }
0x5a: {  	_ =	shalt  }
0x5b: {  	_ =	shalt  }
0x5c: {  	_ =	shalt  }
0x5d: {  	_ =	shalt  }
0x5e: {  	_ =	shalt  }
0x5f: {  	_ =	shalt  }
0x60: {  	_ =	shalt  }
0x61: {  	_ =	shalt  }
0x62: {  	_ =	shalt  }
0x63: {  	_ =	shalt  }
0x64: {  	_ =	shalt  }
0x65: {  	_ =	shalt  }
0x66: {  	_ =	shalt  }
0x67: {  	_ =	shalt  }
0x68: {  	_ =	shalt  }
0x69: {  	_ =	shalt  }
0x6a: {  	_ =	shalt  }
0x6b: {  	_ =	shalt  }
0x6c: {  	_ =	shalt  }
0x6d: {  	_ =	shalt  }
0x6e: {  	_ =	shalt  }
0x6f: {  	_ =	shalt  }
0x70: {  	_ =	shalt  }
0x71: {  	_ =	shalt  }
0x72: {  	_ =	shalt  }
0x73: {  	_ =	shalt  }
0x74: {  	_ =	shalt  }
0x75: {  	_ =	shalt  }
0x76: {  	_ =	shalt  }
0x77: {  	_ =	shalt  }
0x78: {  	_ =	shalt  }
0x79: {  	_ =	shalt  }
0x7a: {  	_ =	shalt  }
0x7b: {  	_ =	shalt  }
0x7c: {  	_ =	shalt  }
0x7d: {  	_ =	shalt  }
0x7e: {  	_ =	shalt  }
0x7f: {  	_ =	shalt  }
0x80: {  	_ =	shalt  }
0x81: {  	_ =	shalt  }
0x82: {  	_ =	shalt  }
0x83: {  	_ =	shalt  }
0x84: {  	_ =	shalt  }
0x85: {  	_ =	shalt  }
0x86: {  	_ =	shalt  }
0x87: {  	_ =	shalt  }
.Lfunc_end0:
.L_simem_size_0:
called_computation.1_lowered:
.L_overlay_start_0:
0x88: {  	s2 =	sld [smem:$0x3FD9]  }
0x89: {  	s3 =	sld [smem:$0x3FFE];
	_ =	sdelay $0x1  }
0x8a: {  	s1 =	srdreg.scid  }
0x8b: {  	s0 =	sand.u32 $0x1, s1  }
0x8c: {  	s17 =	sshll.u32 s0, $0xA;
	s2 =	sadd.s32 s3, s2  }
0x8d: {  	s2 =	sadd.s32 s2, s17  }
0x8e: {  	[smem:$0x3FC6] =	sst s2  }
0x8f: {  	_ = 	snop  }
0x90: {  	s2 =	sld [smem:$0x3FD0];
	(tm) =	ssettm $0x1  }
0x91: {  	s18 =	sld [smem:$0x3FFB];
	_ =	sdelay $0x3  }
0x92: {  	_ =	strace s18  }
0x93: {  	s3 =	sld [smem:$0x3FFC];
	_ =	sdelay $0x3  }
0x94: {  	_ =	strace s3  }
0x95: {  	s3 =	sld [smem:$0x3FFD];
	_ =	sdelay $0x3  }
0x96: {  	_ =	strace s3  }
0x97: {  	_ =	strace $0x8FFFFFFF  }
0x98: {  	s19 =	sld [smem:$0x3FDB];
	_ =	sdelay $0x1  }
0x99: {  	s4 =	simm.s32 $_scs_section_size  }
0x9a: {  	s5 =	simm.s32 $_size__tile_overlayer_lowered;
	s6 =	simm.s32 $_tile_overlayer_lowered  }
0x9b: {  	s22 =	simm.s32 $0x1BFF;
	s21 =	sshll.u32 s6, $0x1;
	s3 =	sadd.s32 s4, s19  }
0x9c: {  	s7 =	simm.s32 $0x0;
	s20 =	sshll.u32 s5, $0x1;
	s5 =	sadd.s32 s21, s3  }
0x9d: {  	[timem:s7], [sflag:s22] =	dma.local [hbm:s5], s20  }
0x9e: {  	_ =	swait.ge [sflag:s22], s20  }
0x9f: {  	s4 =	ssub.s32 $0x0, s20;
	[sflag:s22] =	ssyncset.done $0x0  }
0xa0: {  	[sflag:s22] =	ssyncadd.s32 s4;
	_ =	sdelay $0x1  }
0xa1: {  	s23 =	simm.s32 $0x1B8B  }
0xa2: {  	_ =	swait.ge [sflag:s23], $0x1  }
0xa3: {  	[sflag:s23] =	ssyncset.done $0x0  }
0xa4: {  	s25 =	simm.s32 $0x1B8E;
	s24 =	sld [smem:$0x3FFE];
	[sflag:s23] =	ssyncadd.s32 $0xFFFFFFFF  }
0xa5: {  	s26 =	simm.s32 $execute0_lowered;
	[smem:$0x3FD2] =	sst s25  }
0xa6: {  	s5 =	sshll.u32 s26, $0x1;
	_ =	strace $0x80000046;
	[dreg:$0x1] =	wrdreg $0xFFFFFFFF  }
0xa7: {  	s28 =	simm.s32 $_size_execute0_lowered;
	s3 =	sadd.s32 s3, s5;
	[dreg:$0x0] =	wrdreg $0x0  }
0xa8: {  	s5 =	sshll.u32 s28, $0x1;
	[dreg:$0x2] =	wrdreg s3  }
0xa9: {  	[dreg:$0x3] =	wrdreg s5  }
0xaa: {  	[dreg:$0x4] =	wrdreg $0xC0  }
0xab: {  	_ =	task [dreg:s7], $0x5FFFF  }
0xac: {  	[dreg:$0x1] =	wrdreg $0xFFFFFFFF  }
0xad: {  	[dreg:$0x0] =	wrdreg $0x60  }
0xae: {  	[dreg:$0x2] =	wrdreg s24  }
0xaf: {  	[dreg:$0x3] =	wrdreg s2  }
0xb0: {  	[dreg:$0x4] =	wrdreg $0x9  }
0xb1: {  	_ =	task.clear_ibuf [dreg:s7], $0x5FFFF;
	_ =	strace $0x90000046  }
0xb2: {  	s29 =	simm.s32 $0x9;
	_ =	strace $0x80000048  }
0xb3: {  	_ =	swait.ge [sflag:s29], $0x1  }
0xb4: {  	[sflag:s29] =	ssyncadd.s32 $0xFFFFFFFF  }
0xb5: {  	_ =	strace $0x90000048  }
0xb6: {  	_ =	sfence  }
0xb7: {  	s30 =	sld [smem:$0x0];
	_ =	sdelay $0x2  }
0xb8: {  	s31 =	sshll.u32 s1, $0xD;
	s1 =	sshrl.u32 s1, $0x2  }
0xb9: {  	s3 =	sand.u32 $0x4000, s31;
	s1 =	sadd.s32 s1, s30  }
0xba: {  	s0 =	sor.u32 s3, s0;
	s1 =	sshll.u32 s1, $0x11  }
0xbb: {  	s0 =	sor.u32 s1, s0  }
0xbc: {  	s0 =	sadd.s32 $0x8F2B, s0  }
0xbd: {  	[sflag:s0] =	ssyncadd.remote.s32 $0x1  }
0xbe: {  	_ =	sfence.sel $0xFFFF  }
0xbf: {  	[dreg:$0x0] =	wrdreg $0xFFFFFFFF;
	(pc) =	sbr.abs _section_cstart, $3  }
0xc0: {  	[dreg:$0x1] =	wrdreg $0xFFFFFFFF  }
0xc1: {  	_ =	task.clear_ibuf [dreg:s7], $0x2FFFF;
	_ =	strace $0x9FFFFFFF  }
0xc2: {  	(tm) =	ssettm $0x7FFFFFFF  }
0xc3: {  	_ =	shalt  }
tec
execute0_lowered:
.L_overlay_start_1:
0x0: {  	(tag) =	ssettag $0x1  }
0x1: {  	s0 =	rddreg [dreg:$0x0]  }
0x2: {  	s2 =	rddreg [dreg:$0x1];
	s1 =	srdreg.scid  }
0x3: {  	s4 =	stileid.u32;
	s3 =	simm.s32 $0x0;
	s14 =	simm.s32 $0x5  }
0x4: {  	s15 =	simm.s32 $0x80;
	s16 =	simm.s32 $0x320;
	s17 =	simm.s32 $0x48  }
0x5: {  	s23 =	simm.s32 $0x190;
	s24 =	simm.s32 $0x6720;
	s28 =	simm.s32 $0x258  }
0x6: {  	s29 =	simm.s32 $0x9920;
	s30 =	simm.s32 $0x2D8;
	s31 =	simm.s32 $0xB920  }
0x7: {  	s13 =	simm.s32 $0x3;
	s9 =	simm.s32 $0x0;
	s1 =	sand.u32 $0x1, s1  }
0x8: {  	s4 =	sshll.u32 s4, $0x8;
	[smem:$0x7FF] =	sst s3;
	s6 =	sadd.s32 $0xF43800, s0  }
0x9: {  	s5 =	sshll.u32 s1, $0x7;
	_ =	strace $0x80000047;
	s1 =	ssub.s32 $0x2, s1  }
0xa: {  	s4 =	sor.u32 s5, s4;
	s5 =	sadd.s32 $0x1400, s0;
	s0 =	sadd.s32 $0xC00, s0  }
0xb: {  	s8 =	sshrl.u32 s1, $0x1;
	s7 =	smul.u32 $0x19, s4;
	[dreg:$0x3] =	wrdreg s0  }
.Ltmp0:
0xc: {  	s25 =	ssub.s32 s1, s8;
	s10 =	sor.u32 $0x4, s4;
	(pc) =	sbr.rel .LBB2_1-.Ltmp0, $4  }
0xd: {  	s11 =	sor.u32 $0x6, s4;
	s0 =	smax.u32 s25, $0x1;
	s25 =	simm.s32 $0x210  }
0xe: {  	s26 =	sadd.s32 s5, s7;
	[dreg:$0x6] =	wrdreg s0;
	s0 =	simm.s32 $0x1  }
0xf: {  	s7 =	simm.s32 $0x4;
	[dreg:$0x4] =	wrdreg s26;
	s1 =	sadd.s32 $0x32, s26  }
0x10: {  	s26 =	simm.s32 $0x8720;
	[dreg:$0x5] =	wrdreg s1;
	s1 =	simm.s32 $0x2  }
.LBB2_12:
0x11: {  	_ =	swait.ge [sflag:s7], $0x6400  }
0x12: {  	s9 =	rddreg [dreg:$0x7]  }
0x13: {  	s8 =	rddreg [dreg:$0x6];
	s9 =	sadd.s32 $0x1, s9  }
0x14: {  	p0 =	sne.s32 s9, s8  }
.Ltmp1:
0x15: {  	_ = 	snop;
	(pc) =	sbr.rel @!p0 .LBB2_13-.Ltmp1, $3  }
0x16: {  	_ =	sdelay $0x1  }
0x17: {  	[sflag:s7] =	ssyncset.done $0x0  }
0x18: {  	[sflag:s7] =	ssyncadd.s32 $0xFFFF9C00  }
.LBB2_1:
0x19: {  	[dreg:$0x7] =	wrdreg s9  }
0x1a: {  	s8 =	rddreg [dreg:$0x3];
	s22 =	simm.s32 $0xCB20  }
0x1b: {  	[tilespmem:s22], [sflag:$0x5] =	stream.linear.gather [hbm4b:s8+s3], $0x3200, $0x38;
	[tilespmem:$0xFD20] =	vst v63  }
0x1c: {  	_ =	swait.ge [sflag:s14], $0x3200  }
0x1d: {  	[sflag:s14] =	ssyncset.done $0x0  }
0x1e: {  	s9 =	rddreg [dreg:$0x4];
	[sflag:s14] =	ssyncadd.s32 $0xFFFFCE00  }
0x1f: {  	[tilespmem:s3], [sflag:$0x5] =	stream.linear.gather [hbm4b:s9+s3], $0x190, $0x38;
	[tilespmem:$0xFD20] =	vst v63  }
0x20: {  	_ =	swait.ge [sflag:s14], $0x190  }
0x21: {  	[sflag:s14] =	ssyncset.done $0x0  }
0x22: {  	[sflag:s14] =	ssyncadd.s32 $0xFFFFFE70  }
0x23: {  	[tilespmem:s16], [sflag:$0x1] =	stream.indirect.gather [hbm4b:s6+s15], $0x40, s3, s15, $0xb8;
	[tilespmem:$0xFD20] =	vst v63  }
0x24: {  	s12 =	simm.s32 $0x2320  }
0x25: {  	[tilespmem:s12], [sflag:$0x1] =	stream.indirect.gather [hbm4b:s6+s17], $0x40, s15, s17, $0xb8;
	[tilespmem:$0xFD20] =	vst v63  }
0x26: {  	s18 =	simm.s32 $0xC8;
	s19 =	simm.s32 $0x3520  }
0x27: {  	[tilespmem:s19], [sflag:$0x1] =	stream.indirect.gather [hbm4b:s6+s15], $0x40, s18, s15, $0xb8;
	[tilespmem:$0xFD20] =	vst v63  }
0x28: {  	s20 =	simm.s32 $0x148;
	s21 =	simm.s32 $0x5520  }
0x29: {  	[tilespmem:s21], [sflag:$0x1] =	stream.indirect.gather [hbm4b:s6+s17], $0x40, s20, s17, $0xb8;
	[tilespmem:$0xFD20] =	vst v63  }
0x2a: {  	s22 =	rddreg [dreg:$0x5]  }
0x2b: {  	[tilespmem:s23], [sflag:$0x5] =	stream.linear.gather [hbm4b:s22+s3], $0x190, $0x38;
	[tilespmem:$0xFD20] =	vst v63  }
0x2c: {  	_ =	swait.ge [sflag:s14], $0x190  }
0x2d: {  	[sflag:s14] =	ssyncset.done $0x0  }
0x2e: {  	[sflag:s14] =	ssyncadd.s32 $0xFFFFFE70  }
0x2f: {  	[tilespmem:s24], [sflag:$0x2] =	stream.indirect.gather [hbm4b:s6+s15], $0x40, s23, s15, $0xb8;
	[tilespmem:$0xFD20] =	vst v63  }
0x30: {  	_ = 	snop  }
0x31: {  	[tilespmem:s26], [sflag:$0x2] =	stream.indirect.gather [hbm4b:s6+s17], $0x40, s25, s17, $0xb8;
	[tilespmem:$0xFD20] =	vst v63  }
0x32: {  	_ = 	snop  }
0x33: {  	[tilespmem:s29], [sflag:$0x2] =	stream.indirect.gather [hbm4b:s6+s15], $0x40, s28, s15, $0xb8;
	[tilespmem:$0xFD20] =	vst v63  }
0x34: {  	s12 =	simm.s32 $0x0  }
0x35: {  	[tilespmem:s31], [sflag:$0x2] =	stream.indirect.gather [hbm4b:s6+s17], $0x40, s30, s17, $0xb8;
	[tilespmem:$0xFD20] =	vst v63  }
.LBB2_2:
0x36: {  	_ =	swait.ge [sflag:s0], $0x2000  }
0x37: {  	[sflag:s0] =	ssyncset.done $0x0  }
0x38: {  	[sflag:s0] =	ssyncadd.s32 $0xFFFFE000  }
0x39: {  	_ =	swait.ge [sflag:s0], $0x1200  }
0x3a: {  	[sflag:s0] =	ssyncset.done $0x0  }
0x3b: {  	[sflag:s0] =	ssyncadd.s32 $0xFFFFEE00  }
0x3c: {  	_ =	swait.ge [sflag:s0], $0x2000  }
0x3d: {  	[sflag:s0] =	ssyncset.done $0x0  }
0x3e: {  	[sflag:s0] =	ssyncadd.s32 $0xFFFFE000  }
0x3f: {  	_ =	swait.ge [sflag:s0], $0x1200  }
0x40: {  	[sflag:s0] =	ssyncset.done $0x0  }
0x41: {  	s18 =	simm.s32 $0x3A0;
	[sflag:s0] =	ssyncadd.s32 $0xFFFFEE00  }
0x42: {  	s8 =	simm.s32 $0xCBA0;
	v0 =	vld [tilespmem:s18+$0x40]  }
0x43: {  	v1 =	vld [tilespmem:s8+$0x40]  }
0x44: {  	v2 =	vld [tilespmem:s18+$0xFFFFFFC0]  }
0x45: {  	v3 =	vld [tilespmem:s8+$0xFFFFFFC0]  }
0x46: {  	v4 =	vld [tilespmem:s18+$0x0]  }
0x47: {  	v5 =	vld [tilespmem:s8+$0x0]  }
0x48: {  	v6 =	vld [tilespmem:s18+$0xFFFFFF80];
	v0 =	vadd.f32 v1, v0  }
0x49: {  	v1 =	vld [tilespmem:s8+$0xFFFFFF80]  }
0x4a: {  	[tilespmem:s18+$0x40] =	vst v0;
	v0 =	vld [tilespmem:s18+$0x50]  }
0x4b: {  	v2 =	vadd.f32 v3, v2;
	v3 =	vld [tilespmem:s8+$0x50]  }
0x4c: {  	v7 =	vld [tilespmem:s18+$0xFFFFFF90]  }
0x4d: {  	[tilespmem:s18+$0xFFFFFFC0] =	vst v2;
	v2 =	vadd.f32 v5, v4;
	v4 =	vld [tilespmem:s18+$0xFFFFFFD0]  }
0x4e: {  	v5 =	vld [tilespmem:s8+$0xFFFFFFD0];
	v1 =	vadd.f32 v1, v6  }
0x4f: {  	[tilespmem:s18+$0x0] =	vst v2;
	v2 =	vld [tilespmem:s18+$0x10]  }
0x50: {  	v6 =	vld [tilespmem:s8+$0x10];
	[tilespmem:s18+$0xFFFFFF80] =	vst v1;
	v0 =	vadd.f32 v3, v0  }
0x51: {  	v1 =	vld [tilespmem:s8+$0xFFFFFF90]  }
0x52: {  	[tilespmem:s18+$0x50] =	vst v0;
	v0 =	vld [tilespmem:s18+$0x60]  }
0x53: {  	v3 =	vadd.f32 v5, v4;
	v4 =	vld [tilespmem:s8+$0x60]  }
0x54: {  	v5 =	vld [tilespmem:s18+$0xFFFFFFA0]  }
0x55: {  	[tilespmem:s18+$0xFFFFFFD0] =	vst v3;
	v2 =	vadd.f32 v6, v2;
	v3 =	vld [tilespmem:s18+$0xFFFFFFE0]  }
0x56: {  	v6 =	vld [tilespmem:s8+$0xFFFFFFE0];
	v1 =	vadd.f32 v1, v7  }
0x57: {  	[tilespmem:s18+$0x10] =	vst v2;
	v2 =	vld [tilespmem:s18+$0x20]  }
0x58: {  	v7 =	vld [tilespmem:s8+$0x20];
	[tilespmem:s18+$0xFFFFFF90] =	vst v1;
	v0 =	vadd.f32 v4, v0  }
0x59: {  	v4 =	vld [tilespmem:s8+$0xFFFFFFA0]  }
0x5a: {  	v8 =	vld [tilespmem:s18+$0x70];
	[tilespmem:s18+$0x60] =	vst v0  }
0x5b: {  	v1 =	vadd.f32 v6, v3;
	v6 =	vld [tilespmem:s8+$0x70]  }
0x5c: {  	v0 =	vld [tilespmem:s18+$0xFFFFFFB0]  }
0x5d: {  	[tilespmem:s18+$0xFFFFFFE0] =	vst v1;
	v2 =	vadd.f32 v7, v2;
	v1 =	vld [tilespmem:s18+$0xFFFFFFF0]  }
0x5e: {  	v3 =	vld [tilespmem:s8+$0xFFFFFFF0];
	v4 =	vadd.f32 v4, v5  }
0x5f: {  	[tilespmem:s18+$0x20] =	vst v2;
	v2 =	vld [tilespmem:s18+$0x30]  }
0x60: {  	[tilespmem:s18+$0xFFFFFFA0] =	vst v4;
	v4 =	vld [tilespmem:s8+$0x30];
	v6 =	vadd.f32 v6, v8  }
0x61: {  	s19 =	simm.s32 $0x0;
	s20 =	simm.s32 $0x4A0;
	s21 =	simm.s32 $0xCBA0;
	v5 =	vld [tilespmem:s8+$0xFFFFFFB0]  }
.LBB2_3:
0x62: {  	v7 =	vld [tilespmem:s20+$0x40];
	[tilespmem:s18+$0x70] =	vst v6;
	s21 =	sadd.s32 $0x100, s21;
	s9 =	simm.s32 $0x3610  }
0x63: {  	s19 =	sadd.s32 $0x4, s19;
	v6 =	vld [tilespmem:s21+$0x40];
	v1 =	vadd.f32 v3, v1  }
0x64: {  	p0 =	slt.u32 s19, $0xC4;
	v3 =	vld [tilespmem:s21+$0xFFFFFF80]  }
0x65: {  	v8 =	vld [tilespmem:s20+$0xFFFFFFC0];
	[tilespmem:s18+$0xFFFFFFF0] =	vst v1;
	v1 =	vadd.f32 v4, v2  }
0x66: {  	v2 =	vld [tilespmem:s21+$0xFFFFFFC0];
	v0 =	vadd.f32 v5, v0  }
0x67: {  	v4 =	vld [tilespmem:s20+$0x0];
	[tilespmem:s18+$0x30] =	vst v1  }
0x68: {  	v1 =	vld [tilespmem:s21+$0x0];
	v5 =	vadd.f32 v6, v7;
	[tilespmem:s18+$0xFFFFFFB0] =	vst v0;
	s18 =	smov.u32 s20  }
0x69: {  	v0 =	vld [tilespmem:s20+$0xFFFFFF80]  }
0x6a: {  	[tilespmem:s20+$0x40] =	vst v5;
	v5 =	vld [tilespmem:s20+$0x50]  }
0x6b: {  	v2 =	vadd.f32 v2, v8;
	v6 =	vld [tilespmem:s21+$0x50]  }
0x6c: {  	v7 =	vld [tilespmem:s20+$0xFFFFFF90]  }
0x6d: {  	[tilespmem:s20+$0xFFFFFFC0] =	vst v2;
	v2 =	vld [tilespmem:s20+$0xFFFFFFD0];
	v1 =	vadd.f32 v1, v4  }
0x6e: {  	v0 =	vadd.f32 v3, v0;
	v3 =	vld [tilespmem:s21+$0xFFFFFFD0]  }
0x6f: {  	[tilespmem:s20+$0x0] =	vst v1;
	v1 =	vld [tilespmem:s20+$0x10]  }
0x70: {  	[tilespmem:s20+$0xFFFFFF80] =	vst v0;
	v0 =	vld [tilespmem:s21+$0x10];
	v4 =	vadd.f32 v6, v5  }
0x71: {  	v5 =	vld [tilespmem:s21+$0xFFFFFF90]  }
0x72: {  	[tilespmem:s20+$0x50] =	vst v4;
	v4 =	vld [tilespmem:s20+$0x60]  }
0x73: {  	v2 =	vadd.f32 v3, v2;
	v3 =	vld [tilespmem:s21+$0x60]  }
0x74: {  	v6 =	vld [tilespmem:s20+$0xFFFFFFA0]  }
0x75: {  	[tilespmem:s20+$0xFFFFFFD0] =	vst v2;
	v2 =	vld [tilespmem:s20+$0xFFFFFFE0];
	v0 =	vadd.f32 v0, v1  }
0x76: {  	v1 =	vadd.f32 v5, v7;
	v5 =	vld [tilespmem:s21+$0xFFFFFFE0]  }
0x77: {  	[tilespmem:s20+$0x10] =	vst v0;
	v7 =	vld [tilespmem:s20+$0x20]  }
0x78: {  	[tilespmem:s20+$0xFFFFFF90] =	vst v1;
	v8 =	vld [tilespmem:s21+$0x20];
	v0 =	vadd.f32 v3, v4  }
0x79: {  	v3 =	vld [tilespmem:s21+$0xFFFFFFA0]  }
0x7a: {  	[tilespmem:s20+$0x60] =	vst v0;
	v9 =	vld [tilespmem:s20+$0x70]  }
0x7b: {  	v1 =	vadd.f32 v5, v2;
	v5 =	vld [tilespmem:s21+$0x70]  }
0x7c: {  	v0 =	vld [tilespmem:s20+$0xFFFFFFB0]  }
.Ltmp2:
0x7d: {  	[tilespmem:s20+$0xFFFFFFE0] =	vst v1;
	v1 =	vld [tilespmem:s20+$0xFFFFFFF0];
	v2 =	vadd.f32 v8, v7;
	(pc) =	sbr.rel @p0 .LBB2_3-.Ltmp2, $4  }
0x7e: {  	v4 =	vadd.f32 v3, v6;
	v3 =	vld [tilespmem:s21+$0xFFFFFFF0]  }
0x7f: {  	[tilespmem:s20+$0x20] =	vst v2;
	v2 =	vld [tilespmem:s20+$0x30]  }
0x80: {  	[tilespmem:s20+$0xFFFFFFA0] =	vst v4;
	v4 =	vld [tilespmem:s21+$0x30];
	v6 =	vadd.f32 v5, v9  }
0x81: {  	s20 =	sadd.s32 $0x100, s20;
	v5 =	vld [tilespmem:s21+$0xFFFFFFB0]  }
0x82: {  	_ =	sdelay $0x1  }
0x83: {  	v1 =	vadd.f32 v3, v1  }
0x84: {  	[tilespmem:s18+$0x70] =	vst v6;
	v2 =	vadd.f32 v4, v2  }
0x85: {  	[tilespmem:s18+$0xFFFFFFF0] =	vst v1;
	v0 =	vadd.f32 v5, v0  }
0x86: {  	[tilespmem:s18+$0x30] =	vst v2  }
0x87: {  	[tilespmem:s18+$0xFFFFFFB0] =	vst v0  }
0x88: {  	v0 =	vld [tilespmem:s9+$0xFFFFFFD0]  }
0x89: {  	v1 =	vld [tilespmem:s8+$0x40]  }
0x8a: {  	v2 =	vld [tilespmem:s9+$0xFFFFFF50]  }
0x8b: {  	v3 =	vld [tilespmem:s8+$0xFFFFFFC0]  }
0x8c: {  	v4 =	vld [tilespmem:s9+$0xFFFFFF90]  }
0x8d: {  	v5 =	vld [tilespmem:s8+$0x0]  }
0x8e: {  	v6 =	vld [tilespmem:s9+$0xFFFFFF10];
	v0 =	vadd.f32 v1, v0  }
0x8f: {  	v1 =	vld [tilespmem:s8+$0xFFFFFF80]  }
0x90: {  	[tilespmem:s9+$0xFFFFFFD0] =	vst v0;
	v0 =	vld [tilespmem:s9+$0xFFFFFFE0]  }
0x91: {  	v2 =	vadd.f32 v3, v2;
	v3 =	vld [tilespmem:s8+$0x50]  }
0x92: {  	v7 =	vld [tilespmem:s9+$0xFFFFFF20]  }
0x93: {  	[tilespmem:s9+$0xFFFFFF50] =	vst v2;
	v2 =	vadd.f32 v5, v4;
	v4 =	vld [tilespmem:s9+$0xFFFFFF60]  }
0x94: {  	v5 =	vld [tilespmem:s8+$0xFFFFFFD0];
	v1 =	vadd.f32 v1, v6  }
0x95: {  	[tilespmem:s9+$0xFFFFFF90] =	vst v2;
	v2 =	vld [tilespmem:s9+$0xFFFFFFA0]  }
0x96: {  	v6 =	vld [tilespmem:s8+$0x10];
	[tilespmem:s9+$0xFFFFFF10] =	vst v1;
	v0 =	vadd.f32 v3, v0  }
0x97: {  	v1 =	vld [tilespmem:s8+$0xFFFFFF90]  }
0x98: {  	[tilespmem:s9+$0xFFFFFFE0] =	vst v0;
	v0 =	vld [tilespmem:s9+$0xFFFFFFF0]  }
0x99: {  	v3 =	vadd.f32 v5, v4;
	v4 =	vld [tilespmem:s8+$0x60]  }
0x9a: {  	v5 =	vld [tilespmem:s9+$0xFFFFFF30]  }
0x9b: {  	[tilespmem:s9+$0xFFFFFF60] =	vst v3;
	v2 =	vadd.f32 v6, v2;
	v3 =	vld [tilespmem:s9+$0xFFFFFF70]  }
0x9c: {  	v6 =	vld [tilespmem:s8+$0xFFFFFFE0];
	v1 =	vadd.f32 v1, v7  }
0x9d: {  	[tilespmem:s9+$0xFFFFFFA0] =	vst v2;
	v2 =	vld [tilespmem:s9+$0xFFFFFFB0]  }
0x9e: {  	v7 =	vld [tilespmem:s8+$0x20];
	[tilespmem:s9+$0xFFFFFF20] =	vst v1;
	v0 =	vadd.f32 v4, v0  }
0x9f: {  	v4 =	vld [tilespmem:s8+$0xFFFFFFA0]  }
0xa0: {  	v8 =	vld [tilespmem:s9+$0x0];
	[tilespmem:s9+$0xFFFFFFF0] =	vst v0  }
0xa1: {  	v1 =	vadd.f32 v6, v3;
	v6 =	vld [tilespmem:s8+$0x70]  }
0xa2: {  	v0 =	vld [tilespmem:s9+$0xFFFFFF40]  }
0xa3: {  	[tilespmem:s9+$0xFFFFFF70] =	vst v1;
	v2 =	vadd.f32 v7, v2;
	v1 =	vld [tilespmem:s9+$0xFFFFFF80]  }
0xa4: {  	v3 =	vld [tilespmem:s8+$0xFFFFFFF0];
	v4 =	vadd.f32 v4, v5  }
0xa5: {  	[tilespmem:s9+$0xFFFFFFB0] =	vst v2;
	v2 =	vld [tilespmem:s9+$0xFFFFFFC0]  }
0xa6: {  	[tilespmem:s9+$0xFFFFFF30] =	vst v4;
	v4 =	vld [tilespmem:s8+$0x30];
	v6 =	vadd.f32 v6, v8  }
0xa7: {  	s19 =	simm.s32 $0x3710;
	s18 =	simm.s32 $0x0;
	v5 =	vld [tilespmem:s8+$0xFFFFFFB0]  }
.LBB2_5:
0xa8: {  	v7 =	vld [tilespmem:s19+$0xFFFFFFD0];
	[tilespmem:s9+$0x0] =	vst v6;
	s8 =	sadd.s32 $0x100, s8  }
0xa9: {  	s18 =	sadd.s32 $0x4, s18;
	v6 =	vld [tilespmem:s8+$0x40];
	v1 =	vadd.f32 v3, v1  }
0xaa: {  	p0 =	slt.u32 s18, $0xC4;
	v3 =	vld [tilespmem:s8+$0xFFFFFF80]  }
0xab: {  	v8 =	vld [tilespmem:s19+$0xFFFFFF50];
	[tilespmem:s9+$0xFFFFFF80] =	vst v1;
	v1 =	vadd.f32 v4, v2  }
0xac: {  	v2 =	vld [tilespmem:s8+$0xFFFFFFC0];
	v0 =	vadd.f32 v5, v0  }
0xad: {  	v4 =	vld [tilespmem:s19+$0xFFFFFF90];
	[tilespmem:s9+$0xFFFFFFC0] =	vst v1  }
0xae: {  	v1 =	vld [tilespmem:s8+$0x0];
	v5 =	vadd.f32 v6, v7;
	[tilespmem:s9+$0xFFFFFF40] =	vst v0;
	s9 =	smov.u32 s19  }
0xaf: {  	v0 =	vld [tilespmem:s19+$0xFFFFFF10]  }
0xb0: {  	[tilespmem:s19+$0xFFFFFFD0] =	vst v5;
	v5 =	vld [tilespmem:s19+$0xFFFFFFE0]  }
0xb1: {  	v2 =	vadd.f32 v2, v8;
	v6 =	vld [tilespmem:s8+$0x50]  }
0xb2: {  	v7 =	vld [tilespmem:s19+$0xFFFFFF20]  }
0xb3: {  	[tilespmem:s19+$0xFFFFFF50] =	vst v2;
	v2 =	vld [tilespmem:s19+$0xFFFFFF60];
	v1 =	vadd.f32 v1, v4  }
0xb4: {  	v0 =	vadd.f32 v3, v0;
	v3 =	vld [tilespmem:s8+$0xFFFFFFD0]  }
0xb5: {  	[tilespmem:s19+$0xFFFFFF90] =	vst v1;
	v1 =	vld [tilespmem:s19+$0xFFFFFFA0]  }
0xb6: {  	[tilespmem:s19+$0xFFFFFF10] =	vst v0;
	v0 =	vld [tilespmem:s8+$0x10];
	v4 =	vadd.f32 v6, v5  }
0xb7: {  	v5 =	vld [tilespmem:s8+$0xFFFFFF90]  }
0xb8: {  	[tilespmem:s19+$0xFFFFFFE0] =	vst v4;
	v4 =	vld [tilespmem:s19+$0xFFFFFFF0]  }
0xb9: {  	v2 =	vadd.f32 v3, v2;
	v3 =	vld [tilespmem:s8+$0x60]  }
0xba: {  	v6 =	vld [tilespmem:s19+$0xFFFFFF30]  }
0xbb: {  	[tilespmem:s19+$0xFFFFFF60] =	vst v2;
	v2 =	vld [tilespmem:s19+$0xFFFFFF70];
	v0 =	vadd.f32 v0, v1  }
0xbc: {  	v1 =	vadd.f32 v5, v7;
	v5 =	vld [tilespmem:s8+$0xFFFFFFE0]  }
0xbd: {  	[tilespmem:s19+$0xFFFFFFA0] =	vst v0;
	v7 =	vld [tilespmem:s19+$0xFFFFFFB0]  }
0xbe: {  	[tilespmem:s19+$0xFFFFFF20] =	vst v1;
	v8 =	vld [tilespmem:s8+$0x20];
	v0 =	vadd.f32 v3, v4  }
0xbf: {  	v3 =	vld [tilespmem:s8+$0xFFFFFFA0]  }
0xc0: {  	[tilespmem:s19+$0xFFFFFFF0] =	vst v0;
	v9 =	vld [tilespmem:s19+$0x0]  }
0xc1: {  	v1 =	vadd.f32 v5, v2;
	v5 =	vld [tilespmem:s8+$0x70]  }
0xc2: {  	v0 =	vld [tilespmem:s19+$0xFFFFFF40]  }
.Ltmp3:
0xc3: {  	[tilespmem:s19+$0xFFFFFF70] =	vst v1;
	v1 =	vld [tilespmem:s19+$0xFFFFFF80];
	v2 =	vadd.f32 v8, v7;
	(pc) =	sbr.rel @p0 .LBB2_5-.Ltmp3, $4  }
0xc4: {  	v4 =	vadd.f32 v3, v6;
	v3 =	vld [tilespmem:s8+$0xFFFFFFF0]  }
0xc5: {  	[tilespmem:s19+$0xFFFFFFB0] =	vst v2;
	v2 =	vld [tilespmem:s19+$0xFFFFFFC0]  }
0xc6: {  	[tilespmem:s19+$0xFFFFFF30] =	vst v4;
	v4 =	vld [tilespmem:s8+$0x30];
	v6 =	vadd.f32 v5, v9  }
0xc7: {  	s19 =	sadd.s32 $0x100, s19;
	v5 =	vld [tilespmem:s8+$0xFFFFFFB0]  }
0xc8: {  	_ =	sdelay $0x1  }
0xc9: {  	s8 =	sshll.u32 s12, $0x2;
	v1 =	vadd.f32 v3, v1  }
0xca: {  	[tilespmem:s9+$0x0] =	vst v6;
	s18 =	sadd.s32 s4, s8;
	v2 =	vadd.f32 v4, v2  }
0xcb: {  	s18 =	smul.u32 $0x640, s18;
	[tilespmem:s9+$0xFFFFFF80] =	vst v1;
	v0 =	vadd.f32 v5, v0  }
0xcc: {  	[tilespmem:s9+$0xFFFFFFC0] =	vst v2  }
0xcd: {  	s22 =	sadd.s32 s2, s18;
	[tilespmem:s9+$0xFFFFFF40] =	vst v0  }
0xce: {  	[hbm4b:s22+s3] =	stream.linear.scatter [tilespmem:s16], [sflag:$0x3], $0x6400, $0x38;
	[tilespmem:$0xFD20] =	vst v63  }
0xcf: {  	_ =	swait.ge [sflag:s1], $0x2000  }
0xd0: {  	[sflag:s1] =	ssyncset.done $0x0  }
0xd1: {  	[sflag:s1] =	ssyncadd.s32 $0xFFFFE000  }
0xd2: {  	_ =	swait.ge [sflag:s1], $0x1200  }
0xd3: {  	[sflag:s1] =	ssyncset.done $0x0  }
0xd4: {  	[sflag:s1] =	ssyncadd.s32 $0xFFFFEE00  }
0xd5: {  	_ =	swait.ge [sflag:s1], $0x2000  }
0xd6: {  	[sflag:s1] =	ssyncset.done $0x0  }
0xd7: {  	[sflag:s1] =	ssyncadd.s32 $0xFFFFE000  }
0xd8: {  	_ =	swait.ge [sflag:s1], $0x1200  }
0xd9: {  	[sflag:s1] =	ssyncset.done $0x0  }
0xda: {  	s19 =	simm.s32 $0x67A0;
	[sflag:s1] =	ssyncadd.s32 $0xFFFFEE00  }
0xdb: {  	s9 =	simm.s32 $0xCBA0;
	v0 =	vld [tilespmem:s19+$0x40]  }
0xdc: {  	v1 =	vld [tilespmem:s9+$0x40]  }
0xdd: {  	v2 =	vld [tilespmem:s19+$0xFFFFFFC0]  }
0xde: {  	v3 =	vld [tilespmem:s9+$0xFFFFFFC0]  }
0xdf: {  	v4 =	vld [tilespmem:s19+$0x0]  }
0xe0: {  	v5 =	vld [tilespmem:s9+$0x0]  }
0xe1: {  	v6 =	vld [tilespmem:s19+$0xFFFFFF80];
	v0 =	vadd.f32 v1, v0  }
0xe2: {  	v1 =	vld [tilespmem:s9+$0xFFFFFF80]  }
0xe3: {  	[tilespmem:s19+$0x40] =	vst v0;
	v0 =	vld [tilespmem:s19+$0x50]  }
0xe4: {  	v2 =	vadd.f32 v3, v2;
	v3 =	vld [tilespmem:s9+$0x50]  }
0xe5: {  	v7 =	vld [tilespmem:s19+$0xFFFFFF90]  }
0xe6: {  	[tilespmem:s19+$0xFFFFFFC0] =	vst v2;
	v2 =	vadd.f32 v5, v4;
	v4 =	vld [tilespmem:s19+$0xFFFFFFD0]  }
0xe7: {  	v5 =	vld [tilespmem:s9+$0xFFFFFFD0];
	v1 =	vadd.f32 v1, v6  }
0xe8: {  	[tilespmem:s19+$0x0] =	vst v2;
	v2 =	vld [tilespmem:s19+$0x10]  }
0xe9: {  	v6 =	vld [tilespmem:s9+$0x10];
	[tilespmem:s19+$0xFFFFFF80] =	vst v1;
	v0 =	vadd.f32 v3, v0  }
0xea: {  	v1 =	vld [tilespmem:s9+$0xFFFFFF90]  }
0xeb: {  	[tilespmem:s19+$0x50] =	vst v0;
	v0 =	vld [tilespmem:s19+$0x60]  }
0xec: {  	v3 =	vadd.f32 v5, v4;
	v4 =	vld [tilespmem:s9+$0x60]  }
0xed: {  	v5 =	vld [tilespmem:s19+$0xFFFFFFA0]  }
0xee: {  	[tilespmem:s19+$0xFFFFFFD0] =	vst v3;
	v2 =	vadd.f32 v6, v2;
	v3 =	vld [tilespmem:s19+$0xFFFFFFE0]  }
0xef: {  	v6 =	vld [tilespmem:s9+$0xFFFFFFE0];
	v1 =	vadd.f32 v1, v7  }
0xf0: {  	[tilespmem:s19+$0x10] =	vst v2;
	v2 =	vld [tilespmem:s19+$0x20]  }
0xf1: {  	v7 =	vld [tilespmem:s9+$0x20];
	[tilespmem:s19+$0xFFFFFF90] =	vst v1;
	v0 =	vadd.f32 v4, v0  }
0xf2: {  	v4 =	vld [tilespmem:s9+$0xFFFFFFA0]  }
0xf3: {  	v8 =	vld [tilespmem:s19+$0x70];
	[tilespmem:s19+$0x60] =	vst v0  }
0xf4: {  	v1 =	vadd.f32 v6, v3;
	v6 =	vld [tilespmem:s9+$0x70]  }
0xf5: {  	v0 =	vld [tilespmem:s19+$0xFFFFFFB0]  }
0xf6: {  	[tilespmem:s19+$0xFFFFFFE0] =	vst v1;
	v2 =	vadd.f32 v7, v2;
	v1 =	vld [tilespmem:s19+$0xFFFFFFF0]  }
0xf7: {  	v3 =	vld [tilespmem:s9+$0xFFFFFFF0];
	v4 =	vadd.f32 v4, v5  }
0xf8: {  	[tilespmem:s19+$0x20] =	vst v2;
	v2 =	vld [tilespmem:s19+$0x30]  }
0xf9: {  	[tilespmem:s19+$0xFFFFFFA0] =	vst v4;
	v4 =	vld [tilespmem:s9+$0x30];
	v6 =	vadd.f32 v6, v8  }
0xfa: {  	s20 =	simm.s32 $0x0;
	s21 =	simm.s32 $0x68A0;
	s22 =	simm.s32 $0xCBA0;
	v5 =	vld [tilespmem:s9+$0xFFFFFFB0]  }
.LBB2_7:
0xfb: {  	v7 =	vld [tilespmem:s21+$0x40];
	[tilespmem:s19+$0x70] =	vst v6;
	s22 =	sadd.s32 $0x100, s22;
	s18 =	simm.s32 $0x9A10  }
0xfc: {  	s20 =	sadd.s32 $0x4, s20;
	v6 =	vld [tilespmem:s22+$0x40];
	v1 =	vadd.f32 v3, v1  }
0xfd: {  	p0 =	slt.u32 s20, $0xC4;
	v3 =	vld [tilespmem:s22+$0xFFFFFF80]  }
0xfe: {  	v8 =	vld [tilespmem:s21+$0xFFFFFFC0];
	[tilespmem:s19+$0xFFFFFFF0] =	vst v1;
	v1 =	vadd.f32 v4, v2  }
0xff: {  	v2 =	vld [tilespmem:s22+$0xFFFFFFC0];
	v0 =	vadd.f32 v5, v0  }
0x100: {  	v4 =	vld [tilespmem:s21+$0x0];
	[tilespmem:s19+$0x30] =	vst v1  }
0x101: {  	v1 =	vld [tilespmem:s22+$0x0];
	v5 =	vadd.f32 v6, v7;
	[tilespmem:s19+$0xFFFFFFB0] =	vst v0;
	s19 =	smov.u32 s21  }
0x102: {  	v0 =	vld [tilespmem:s21+$0xFFFFFF80]  }
0x103: {  	[tilespmem:s21+$0x40] =	vst v5;
	v5 =	vld [tilespmem:s21+$0x50]  }
0x104: {  	v2 =	vadd.f32 v2, v8;
	v6 =	vld [tilespmem:s22+$0x50]  }
0x105: {  	v7 =	vld [tilespmem:s21+$0xFFFFFF90]  }
0x106: {  	[tilespmem:s21+$0xFFFFFFC0] =	vst v2;
	v2 =	vld [tilespmem:s21+$0xFFFFFFD0];
	v1 =	vadd.f32 v1, v4  }
0x107: {  	v0 =	vadd.f32 v3, v0;
	v3 =	vld [tilespmem:s22+$0xFFFFFFD0]  }
0x108: {  	[tilespmem:s21+$0x0] =	vst v1;
	v1 =	vld [tilespmem:s21+$0x10]  }
0x109: {  	[tilespmem:s21+$0xFFFFFF80] =	vst v0;
	v0 =	vld [tilespmem:s22+$0x10];
	v4 =	vadd.f32 v6, v5  }
0x10a: {  	v5 =	vld [tilespmem:s22+$0xFFFFFF90]  }
0x10b: {  	[tilespmem:s21+$0x50] =	vst v4;
	v4 =	vld [tilespmem:s21+$0x60]  }
0x10c: {  	v2 =	vadd.f32 v3, v2;
	v3 =	vld [tilespmem:s22+$0x60]  }
0x10d: {  	v6 =	vld [tilespmem:s21+$0xFFFFFFA0]  }
0x10e: {  	[tilespmem:s21+$0xFFFFFFD0] =	vst v2;
	v2 =	vld [tilespmem:s21+$0xFFFFFFE0];
	v0 =	vadd.f32 v0, v1  }
0x10f: {  	v1 =	vadd.f32 v5, v7;
	v5 =	vld [tilespmem:s22+$0xFFFFFFE0]  }
0x110: {  	[tilespmem:s21+$0x10] =	vst v0;
	v7 =	vld [tilespmem:s21+$0x20]  }
0x111: {  	[tilespmem:s21+$0xFFFFFF90] =	vst v1;
	v8 =	vld [tilespmem:s22+$0x20];
	v0 =	vadd.f32 v3, v4  }
0x112: {  	v3 =	vld [tilespmem:s22+$0xFFFFFFA0]  }
0x113: {  	[tilespmem:s21+$0x60] =	vst v0;
	v9 =	vld [tilespmem:s21+$0x70]  }
0x114: {  	v1 =	vadd.f32 v5, v2;
	v5 =	vld [tilespmem:s22+$0x70]  }
0x115: {  	v0 =	vld [tilespmem:s21+$0xFFFFFFB0]  }
.Ltmp4:
0x116: {  	[tilespmem:s21+$0xFFFFFFE0] =	vst v1;
	v1 =	vld [tilespmem:s21+$0xFFFFFFF0];
	v2 =	vadd.f32 v8, v7;
	(pc) =	sbr.rel @p0 .LBB2_7-.Ltmp4, $4  }
0x117: {  	v4 =	vadd.f32 v3, v6;
	v3 =	vld [tilespmem:s22+$0xFFFFFFF0]  }
0x118: {  	[tilespmem:s21+$0x20] =	vst v2;
	v2 =	vld [tilespmem:s21+$0x30]  }
0x119: {  	[tilespmem:s21+$0xFFFFFFA0] =	vst v4;
	v4 =	vld [tilespmem:s22+$0x30];
	v6 =	vadd.f32 v5, v9  }
0x11a: {  	s21 =	sadd.s32 $0x100, s21;
	v5 =	vld [tilespmem:s22+$0xFFFFFFB0]  }
0x11b: {  	_ =	sdelay $0x1  }
0x11c: {  	v1 =	vadd.f32 v3, v1  }
0x11d: {  	[tilespmem:s19+$0x70] =	vst v6;
	v2 =	vadd.f32 v4, v2  }
0x11e: {  	[tilespmem:s19+$0xFFFFFFF0] =	vst v1;
	v0 =	vadd.f32 v5, v0  }
0x11f: {  	[tilespmem:s19+$0x30] =	vst v2  }
0x120: {  	[tilespmem:s19+$0xFFFFFFB0] =	vst v0  }
0x121: {  	v0 =	vld [tilespmem:s18+$0xFFFFFFD0]  }
0x122: {  	v1 =	vld [tilespmem:s9+$0x40]  }
0x123: {  	v2 =	vld [tilespmem:s18+$0xFFFFFF50]  }
0x124: {  	v3 =	vld [tilespmem:s9+$0xFFFFFFC0]  }
0x125: {  	v4 =	vld [tilespmem:s18+$0xFFFFFF90]  }
0x126: {  	v5 =	vld [tilespmem:s9+$0x0]  }
0x127: {  	v6 =	vld [tilespmem:s18+$0xFFFFFF10];
	v0 =	vadd.f32 v1, v0  }
0x128: {  	v1 =	vld [tilespmem:s9+$0xFFFFFF80]  }
0x129: {  	[tilespmem:s18+$0xFFFFFFD0] =	vst v0;
	v0 =	vld [tilespmem:s18+$0xFFFFFFE0]  }
0x12a: {  	v2 =	vadd.f32 v3, v2;
	v3 =	vld [tilespmem:s9+$0x50]  }
0x12b: {  	v7 =	vld [tilespmem:s18+$0xFFFFFF20]  }
0x12c: {  	[tilespmem:s18+$0xFFFFFF50] =	vst v2;
	v2 =	vadd.f32 v5, v4;
	v4 =	vld [tilespmem:s18+$0xFFFFFF60]  }
0x12d: {  	v5 =	vld [tilespmem:s9+$0xFFFFFFD0];
	v1 =	vadd.f32 v1, v6  }
0x12e: {  	[tilespmem:s18+$0xFFFFFF90] =	vst v2;
	v2 =	vld [tilespmem:s18+$0xFFFFFFA0]  }
0x12f: {  	v6 =	vld [tilespmem:s9+$0x10];
	[tilespmem:s18+$0xFFFFFF10] =	vst v1;
	v0 =	vadd.f32 v3, v0  }
0x130: {  	v1 =	vld [tilespmem:s9+$0xFFFFFF90]  }
0x131: {  	[tilespmem:s18+$0xFFFFFFE0] =	vst v0;
	v0 =	vld [tilespmem:s18+$0xFFFFFFF0]  }
0x132: {  	v3 =	vadd.f32 v5, v4;
	v4 =	vld [tilespmem:s9+$0x60]  }
0x133: {  	v5 =	vld [tilespmem:s18+$0xFFFFFF30]  }
0x134: {  	[tilespmem:s18+$0xFFFFFF60] =	vst v3;
	v2 =	vadd.f32 v6, v2;
	v3 =	vld [tilespmem:s18+$0xFFFFFF70]  }
0x135: {  	v6 =	vld [tilespmem:s9+$0xFFFFFFE0];
	v1 =	vadd.f32 v1, v7  }
0x136: {  	[tilespmem:s18+$0xFFFFFFA0] =	vst v2;
	v2 =	vld [tilespmem:s18+$0xFFFFFFB0]  }
0x137: {  	v7 =	vld [tilespmem:s9+$0x20];
	[tilespmem:s18+$0xFFFFFF20] =	vst v1;
	v0 =	vadd.f32 v4, v0  }
0x138: {  	v4 =	vld [tilespmem:s9+$0xFFFFFFA0]  }
0x139: {  	v8 =	vld [tilespmem:s18+$0x0];
	[tilespmem:s18+$0xFFFFFFF0] =	vst v0  }
0x13a: {  	v1 =	vadd.f32 v6, v3;
	v6 =	vld [tilespmem:s9+$0x70]  }
0x13b: {  	v0 =	vld [tilespmem:s18+$0xFFFFFF40]  }
0x13c: {  	[tilespmem:s18+$0xFFFFFF70] =	vst v1;
	v2 =	vadd.f32 v7, v2;
	v1 =	vld [tilespmem:s18+$0xFFFFFF80]  }
0x13d: {  	v3 =	vld [tilespmem:s9+$0xFFFFFFF0];
	v4 =	vadd.f32 v4, v5  }
0x13e: {  	[tilespmem:s18+$0xFFFFFFB0] =	vst v2;
	v2 =	vld [tilespmem:s18+$0xFFFFFFC0]  }
0x13f: {  	[tilespmem:s18+$0xFFFFFF30] =	vst v4;
	v4 =	vld [tilespmem:s9+$0x30];
	v6 =	vadd.f32 v6, v8  }
0x140: {  	s20 =	simm.s32 $0x9B10;
	s19 =	simm.s32 $0x0;
	v5 =	vld [tilespmem:s9+$0xFFFFFFB0]  }
.LBB2_9:
0x141: {  	v7 =	vld [tilespmem:s20+$0xFFFFFFD0];
	[tilespmem:s18+$0x0] =	vst v6;
	s9 =	sadd.s32 $0x100, s9  }
0x142: {  	s19 =	sadd.s32 $0x4, s19;
	v6 =	vld [tilespmem:s9+$0x40];
	v1 =	vadd.f32 v3, v1  }
0x143: {  	p0 =	slt.u32 s19, $0xC4;
	v3 =	vld [tilespmem:s9+$0xFFFFFF80]  }
0x144: {  	v8 =	vld [tilespmem:s20+$0xFFFFFF50];
	[tilespmem:s18+$0xFFFFFF80] =	vst v1;
	v1 =	vadd.f32 v4, v2  }
0x145: {  	v2 =	vld [tilespmem:s9+$0xFFFFFFC0];
	v0 =	vadd.f32 v5, v0  }
0x146: {  	v4 =	vld [tilespmem:s20+$0xFFFFFF90];
	[tilespmem:s18+$0xFFFFFFC0] =	vst v1  }
0x147: {  	v1 =	vld [tilespmem:s9+$0x0];
	v5 =	vadd.f32 v6, v7;
	[tilespmem:s18+$0xFFFFFF40] =	vst v0;
	s18 =	smov.u32 s20  }
0x148: {  	v0 =	vld [tilespmem:s20+$0xFFFFFF10]  }
0x149: {  	[tilespmem:s20+$0xFFFFFFD0] =	vst v5;
	v5 =	vld [tilespmem:s20+$0xFFFFFFE0]  }
0x14a: {  	v2 =	vadd.f32 v2, v8;
	v6 =	vld [tilespmem:s9+$0x50]  }
0x14b: {  	v7 =	vld [tilespmem:s20+$0xFFFFFF20]  }
0x14c: {  	[tilespmem:s20+$0xFFFFFF50] =	vst v2;
	v2 =	vld [tilespmem:s20+$0xFFFFFF60];
	v1 =	vadd.f32 v1, v4  }
0x14d: {  	v0 =	vadd.f32 v3, v0;
	v3 =	vld [tilespmem:s9+$0xFFFFFFD0]  }
0x14e: {  	[tilespmem:s20+$0xFFFFFF90] =	vst v1;
	v1 =	vld [tilespmem:s20+$0xFFFFFFA0]  }
0x14f: {  	[tilespmem:s20+$0xFFFFFF10] =	vst v0;
	v0 =	vld [tilespmem:s9+$0x10];
	v4 =	vadd.f32 v6, v5  }
0x150: {  	v5 =	vld [tilespmem:s9+$0xFFFFFF90]  }
0x151: {  	[tilespmem:s20+$0xFFFFFFE0] =	vst v4;
	v4 =	vld [tilespmem:s20+$0xFFFFFFF0]  }
0x152: {  	v2 =	vadd.f32 v3, v2;
	v3 =	vld [tilespmem:s9+$0x60]  }
0x153: {  	v6 =	vld [tilespmem:s20+$0xFFFFFF30]  }
0x154: {  	[tilespmem:s20+$0xFFFFFF60] =	vst v2;
	v2 =	vld [tilespmem:s20+$0xFFFFFF70];
	v0 =	vadd.f32 v0, v1  }
0x155: {  	v1 =	vadd.f32 v5, v7;
	v5 =	vld [tilespmem:s9+$0xFFFFFFE0]  }
0x156: {  	[tilespmem:s20+$0xFFFFFFA0] =	vst v0;
	v7 =	vld [tilespmem:s20+$0xFFFFFFB0]  }
0x157: {  	[tilespmem:s20+$0xFFFFFF20] =	vst v1;
	v8 =	vld [tilespmem:s9+$0x20];
	v0 =	vadd.f32 v3, v4  }
0x158: {  	v3 =	vld [tilespmem:s9+$0xFFFFFFA0]  }
0x159: {  	[tilespmem:s20+$0xFFFFFFF0] =	vst v0;
	v9 =	vld [tilespmem:s20+$0x0]  }
0x15a: {  	v1 =	vadd.f32 v5, v2;
	v5 =	vld [tilespmem:s9+$0x70]  }
0x15b: {  	v0 =	vld [tilespmem:s20+$0xFFFFFF40]  }
.Ltmp5:
0x15c: {  	[tilespmem:s20+$0xFFFFFF70] =	vst v1;
	v1 =	vld [tilespmem:s20+$0xFFFFFF80];
	v2 =	vadd.f32 v8, v7;
	(pc) =	sbr.rel @p0 .LBB2_9-.Ltmp5, $4  }
0x15d: {  	v4 =	vadd.f32 v3, v6;
	v3 =	vld [tilespmem:s9+$0xFFFFFFF0]  }
0x15e: {  	[tilespmem:s20+$0xFFFFFFB0] =	vst v2;
	v2 =	vld [tilespmem:s20+$0xFFFFFFC0]  }
0x15f: {  	[tilespmem:s20+$0xFFFFFF30] =	vst v4;
	v4 =	vld [tilespmem:s9+$0x30];
	v6 =	vadd.f32 v5, v9  }
0x160: {  	s20 =	sadd.s32 $0x100, s20;
	v5 =	vld [tilespmem:s9+$0xFFFFFFB0]  }
0x161: {  	_ =	sdelay $0x1  }
0x162: {  	s9 =	sadd.s32 s8, s4;
	v1 =	vadd.f32 v3, v1  }
0x163: {  	[tilespmem:s18+$0x0] =	vst v6;
	s9 =	smul.u32 $0x640, s9;
	v2 =	vadd.f32 v4, v2  }
0x164: {  	[tilespmem:s18+$0xFFFFFF80] =	vst v1;
	v0 =	vadd.f32 v5, v0  }
0x165: {  	p0 =	seq.s32 s12, $0x1F;
	s9 =	sadd.s32 s2, s9;
	[tilespmem:s18+$0xFFFFFFC0] =	vst v2  }
.Ltmp6:
0x166: {  	s9 =	sadd.s32 $0xC80, s9;
	[tilespmem:s18+$0xFFFFFF40] =	vst v0;
	(pc) =	sbr.rel @p0 .LBB2_12-.Ltmp6, $4  }
0x167: {  	[hbm4b:s9+s3] =	stream.linear.scatter [tilespmem:s24], [sflag:$0x4], $0x6400, $0x38;
	[tilespmem:$0xFD20] =	vst v63  }
0x168: {  	_ =	swait.ge [sflag:s13], $0x6400  }
0x169: {  	[sflag:s13] =	ssyncset.done $0x0  }
0x16a: {  	[sflag:s13] =	ssyncadd.s32 $0xFFFF9C00  }
0x16b: {  	s9 =	sadd.s32 s8, s10  }
0x16c: {  	s9 =	smul.u32 $0x19, s9;
	_ =	sdelay $0x1  }
0x16d: {  	s9 =	sadd.s32 s5, s9  }
0x16e: {  	[tilespmem:s3], [sflag:$0x5] =	stream.linear.gather [hbm4b:s9+s3], $0x190, $0x38;
	[tilespmem:$0xFD20] =	vst v63  }
0x16f: {  	_ =	swait.ge [sflag:s14], $0x190  }
0x170: {  	[sflag:s14] =	ssyncset.done $0x0  }
0x171: {  	[sflag:s14] =	ssyncadd.s32 $0xFFFFFE70  }
0x172: {  	[tilespmem:s16], [sflag:$0x1] =	stream.indirect.gather [hbm4b:s6+s15], $0x40, s3, s15, $0xb8;
	[tilespmem:$0xFD20] =	vst v63  }
0x173: {  	s18 =	simm.s32 $0x2320  }
0x174: {  	[tilespmem:s18], [sflag:$0x1] =	stream.indirect.gather [hbm4b:s6+s17], $0x40, s15, s17, $0xb8;
	[tilespmem:$0xFD20] =	vst v63  }
0x175: {  	s19 =	simm.s32 $0xC8;
	s18 =	simm.s32 $0x3520  }
0x176: {  	[tilespmem:s18], [sflag:$0x1] =	stream.indirect.gather [hbm4b:s6+s15], $0x40, s19, s15, $0xb8;
	[tilespmem:$0xFD20] =	vst v63  }
0x177: {  	s20 =	simm.s32 $0x148;
	s21 =	simm.s32 $0x5520;
	s22 =	sadd.s32 s8, s11  }
0x178: {  	[tilespmem:s21], [sflag:$0x1] =	stream.indirect.gather [hbm4b:s6+s17], $0x40, s20, s17, $0xb8;
	[tilespmem:$0xFD20] =	vst v63  }
0x179: {  	s8 =	smul.u32 $0x19, s22;
	_ =	swait.ge [sflag:s7], $0x6400  }
0x17a: {  	[sflag:s7] =	ssyncset.done $0x0  }
0x17b: {  	s8 =	sadd.s32 s5, s8;
	[sflag:s7] =	ssyncadd.s32 $0xFFFF9C00  }
0x17c: {  	[tilespmem:s23], [sflag:$0x5] =	stream.linear.gather [hbm4b:s8+s3], $0x190, $0x38;
	[tilespmem:$0xFD20] =	vst v63  }
0x17d: {  	_ =	swait.ge [sflag:s14], $0x190  }
0x17e: {  	[sflag:s14] =	ssyncset.done $0x0  }
0x17f: {  	[sflag:s14] =	ssyncadd.s32 $0xFFFFFE70  }
0x180: {  	[tilespmem:s24], [sflag:$0x2] =	stream.indirect.gather [hbm4b:s6+s15], $0x40, s23, s15, $0xb8;
	[tilespmem:$0xFD20] =	vst v63  }
0x181: {  	_ = 	snop  }
0x182: {  	[tilespmem:s26], [sflag:$0x2] =	stream.indirect.gather [hbm4b:s6+s17], $0x40, s25, s17, $0xb8;
	[tilespmem:$0xFD20] =	vst v63  }
.Ltmp7:
0x183: {  	_ = 	snop;
	(pc) =	sbr.rel .LBB2_2-.Ltmp7, $4  }
0x184: {  	_ = 	snop  }
0x185: {  	[tilespmem:s29], [sflag:$0x2] =	stream.indirect.gather [hbm4b:s6+s15], $0x40, s28, s15, $0xb8;
	[tilespmem:$0xFD20] =	vst v63  }
0x186: {  	s12 =	sadd.s32 $0x1, s12  }
0x187: {  	[tilespmem:s31], [sflag:$0x2] =	stream.indirect.gather [hbm4b:s6+s17], $0x40, s30, s17, $0xb8;
	[tilespmem:$0xFD20] =	vst v63  }
.LBB2_13:
0x188: {  	_ =	sfence.sel $0x180000  }
0x189: {  	[bflag:$0x0] =	sbarrier.arrive $0xFFFF  }
0x18a: {  	_ =	strace $0x90000047  }
0x18b: {  	s0 =	stileid.u32;
	[bflag:$0x2] =	sbarrier.arrive $0xFFFF  }
0x18c: {  	p0 =	sne.s32 s0, $0x0;
	s0 =	rddreg [dreg:$0x2]  }
0x18d: {  	s0 =	sadd.s32 @!p0 $0x100000, s0  }
0x18e: {  	[sflag:s0] =	ssyncadd.tile.s32 @!p0 $0x1;
	_ =	shalt  }
.Lfunc_end2:
_tile_overlayer_lowered:
.L_overlay_start_2:
0x18f: {  	(tag) =	ssettag $0x2  }
0x190: {  	s0 =	rddreg [dreg:$0x0];
	s2 =	stileid.u32  }
0x191: {  	s1 =	rddreg [dreg:$0x1];
	p0 =	sne.s32 s2, $0x0  }
0x192: {  	s3 =	rddreg [dreg:$0x2];
	[bflag:$0x3] =	sbarrier.arrive $0xFFFF;
	s2 =	simm.s32 @!p0 $0x1C05  }
0x193: {  	[timem:s3], [sflag:s2] =	dma.local @!p0 [hbm:s0], s1  }
0x194: {  	s0 =	simm.s32 @!p0 $0x5  }
0x195: {  	_ =	swait.ge @!p0 [sflag:s0], s1  }
0x196: {  	s1 =	ssub.s32 @!p0 $0x0, s1;
	[sflag:s0] =	ssyncset.done @!p0 $0x0  }
0x197: {  	[sflag:s0] =	ssyncadd.s32 @!p0 s1  }
0x198: {  	[bflag:$0x3] =	sbarrier.arrive $0xFFFF  }
0x199: {  	_ =	shalt  }

// kernel: sparse-core-data-format-call.cloned.1.call-start
scs
called_computation_lowered:
.L_overlay_start_0:
0x0: {  	s2 =	sld [smem:$0x3FD9]  }
0x1: {  	s3 =	sld [smem:$0x3FFE];
	_ =	sdelay $0x1  }
0x2: {  	s1 =	srdreg.scid  }
0x3: {  	s0 =	sand.u32 $0x1, s1  }
0x4: {  	s18 =	sshll.u32 s0, $0xA;
	s2 =	sadd.s32 s3, s2  }
0x5: {  	s2 =	sadd.s32 s2, s18  }
0x6: {  	[smem:$0x3FC6] =	sst s2  }
0x7: {  	_ = 	snop  }
0x8: {  	s2 =	sld [smem:$0x3FD0];
	(tm) =	ssettm $0x1  }
0x9: {  	s19 =	sld [smem:$0x3FFB];
	_ =	sdelay $0x3  }
0xa: {  	_ =	strace s19  }
0xb: {  	s3 =	sld [smem:$0x3FFC];
	_ =	sdelay $0x3  }
0xc: {  	_ =	strace s3  }
0xd: {  	s3 =	sld [smem:$0x3FFD];
	_ =	sdelay $0x3  }
0xe: {  	_ =	strace s3  }
0xf: {  	_ =	strace $0x8FFFFFFF  }
0x10: {  	s20 =	sld [smem:$0x3FDB];
	_ =	sdelay $0x1  }
0x11: {  	s4 =	simm.s32 $_scs_section_size  }
0x12: {  	s5 =	simm.s32 $_size__tile_overlayer_lowered;
	s6 =	simm.s32 $_tile_overlayer_lowered  }
0x13: {  	s23 =	simm.s32 $0x1BFF;
	s22 =	sshll.u32 s6, $0x1;
	s3 =	sadd.s32 s4, s20  }
0x14: {  	s7 =	simm.s32 $0x0;
	s21 =	sshll.u32 s5, $0x1;
	s5 =	sadd.s32 s22, s3  }
0x15: {  	[timem:s7], [sflag:s23] =	dma.local [hbm:s5], s21  }
0x16: {  	_ =	swait.ge [sflag:s23], s21  }
0x17: {  	s4 =	ssub.s32 $0x0, s21;
	[sflag:s23] =	ssyncset.done $0x0  }
0x18: {  	[sflag:s23] =	ssyncadd.s32 s4;
	_ =	sdelay $0x1  }
0x19: {  	s24 =	simm.s32 $0x1B8B  }
0x1a: {  	_ =	swait.ge [sflag:s24], $0x1  }
0x1b: {  	[sflag:s24] =	ssyncset.done $0x0  }
0x1c: {  	s26 =	simm.s32 $0x1B8E;
	s25 =	sld [smem:$0x3FFE];
	[sflag:s24] =	ssyncadd.s32 $0xFFFFFFFF  }
0x1d: {  	s27 =	simm.s32 $execute0_lowered;
	[smem:$0x3FD2] =	sst s26  }
0x1e: {  	s5 =	sshll.u32 s27, $0x1;
	_ =	strace $0x80000049;
	[dreg:$0x1] =	wrdreg $0xFFFFFFFF  }
0x1f: {  	s28 =	simm.s32 $_size_execute0_lowered;
	s3 =	sadd.s32 s3, s5;
	[dreg:$0x0] =	wrdreg $0x0  }
0x20: {  	s5 =	sshll.u32 s28, $0x1;
	[dreg:$0x2] =	wrdreg s3  }
0x21: {  	[dreg:$0x3] =	wrdreg s5  }
0x22: {  	[dreg:$0x4] =	wrdreg $0xC0  }
0x23: {  	_ =	task [dreg:s7], $0x5FFFF  }
0x24: {  	[dreg:$0x1] =	wrdreg $0xFFFFFFFF  }
0x25: {  	[dreg:$0x0] =	wrdreg $0x60  }
0x26: {  	[dreg:$0x2] =	wrdreg s25  }
0x27: {  	[dreg:$0x3] =	wrdreg s2  }
0x28: {  	[dreg:$0x4] =	wrdreg $0x9  }
0x29: {  	_ =	task.clear_ibuf [dreg:s7], $0x5FFFF;
	_ =	strace $0x90000049  }
0x2a: {  	s29 =	simm.s32 $0x9;
	_ =	strace $0x8000004B  }
0x2b: {  	_ =	swait.ge [sflag:s29], $0x1  }
0x2c: {  	[sflag:s29] =	ssyncadd.s32 $0xFFFFFFFF  }
0x2d: {  	_ =	strace $0x9000004B  }
0x2e: {  	_ =	sfence  }
0x2f: {  	s30 =	sld [smem:$0x0];
	_ =	sdelay $0x2  }
0x30: {  	s31 =	sshll.u32 s1, $0xD;
	s1 =	sshrl.u32 s1, $0x2  }
0x31: {  	s3 =	sand.u32 $0x4000, s31;
	s1 =	sadd.s32 s1, s30  }
0x32: {  	s0 =	sor.u32 s3, s0;
	s1 =	sshll.u32 s1, $0x11  }
0x33: {  	s0 =	sor.u32 s1, s0  }
0x34: {  	s0 =	sadd.s32 $0x8F2B, s0  }
0x35: {  	[sflag:s0] =	ssyncadd.remote.s32 $0x1  }
0x36: {  	_ =	sfence.sel $0xFFFF  }
0x37: {  	[dreg:$0x0] =	wrdreg $0xFFFFFFFF;
	(pc) =	sbr.abs _section_cstart, $3  }
0x38: {  	[dreg:$0x1] =	wrdreg $0xFFFFFFFF  }
0x39: {  	_ =	task.clear_ibuf [dreg:s7], $0x2FFFF;
	_ =	strace $0x9FFFFFFF  }
0x3a: {  	(tm) =	ssettm $0x7FFFFFFF  }
0x3b: {  	_ =	shalt  }
tec
execute0_lowered:
.L_overlay_start_1:
0x0: {  	(tag) =	ssettag $0x1  }
0x1: {  	s0 =	srdreg.scid  }
0x2: {  	s1 =	sshll.u32 s0, $0x4  }
0x3: {  	s0 =	stileid.u32;
	s1 =	sand.u32 $0x10, s1  }
0x4: {  	s1 =	sor.u32 s0, s1  }
0x5: {  	s6 =	rddreg [dreg:$0x0];
	s4 =	simm.s32 $0x1;
	s2 =	sshll.u32 s1, $0x7  }
0x6: {  	s7 =	simm.s32 $0x2;
	s12 =	simm.s32 $0x0;
	s1 =	ssub.s32 $0x1000, s2  }
0x7: {  	s8 =	simm.s32 $0x8000;
	s13 =	simm.s32 $0x0;
	s3 =	sand.u32 $0xF80, s1  }
0x8: {  	s9 =	simm.s32 $0x0;
	s5 =	sshrl.u32 s1, $0xC;
	p0 =	sne.s32 s3, $0x0  }
.Ltmp0:
0x9: {  	s1 =	rddreg [dreg:$0x2];
	s4 =	simm.s32 @!p0 $0x0;
	(pc) =	sbr.rel .LBB1_1-.Ltmp0, $4  }
0xa: {  	s11 =	simm.s32 $0x0;
	s3 =	rddreg [dreg:$0x1];
	s5 =	sadd.s32 s4, s5  }
0xb: {  	_ =	strace $0x8000004A;
	s4 =	simm.s32 $0x1;
	s5 =	smul.u32 $0xC8, s5  }
0xc: {  	s6 =	sadd.s32 $0xC00, s6;
	s10 =	smov.u32 s2;
	[sflag:s4] =	ssyncpa.u1 $0x0  }
0xd: {  	p0 =	por $0x0, $0x0;
	[sflag:s7] =	ssyncpa.u1 $0x0;
	s7 =	sor.u32 $0x1, s5  }
.LBB1_4:
0xe: {  	s16 =	sshll.u32 s13, $0x3;
	s17 =	sand.u32 $0x78, s13  }
0xf: {  	s30 =	sand.u32 $0x7E00, s13;
	s12 =	sshll.u32 s12, $0xF;
	s16 =	sand.u32 $0xC00, s16  }
0x10: {  	[tilespmem:s15+$0x810 ss:$0x81] =	vst.msk $0xffff, v2;
	s31 =	sand.u32 $0x7, s13;
	s16 =	sor.u32 s17, s16;
	s17 =	sadd.s32 s3, s30  }
0x11: {  	[tilespmem:s15+$0x1020 ss:$0x81] =	vst.msk $0xffff, v0;
	s13 =	sshll.u32 s31, $0x12;
	s12 =	sadd.s32 s12, s17;
	s16 =	sshrl.u32 s16, $0x3  }
0x12: {  	[tilespmem:s15+$0x0 ss:$0x81] =	vst.msk $0xffff, v1;
	s13 =	sor.u32 $0x400, s13;
	s12 =	sadd.s32 s16, s12  }
0x13: {  	[hbm4b:s12+s13] =	stream.strided.scatter [tilespmem:s14], [sflag:$0x2], $0x2000, s8, s13, $0x20;
	[tilespmem:$0x8080] =	vst v63  }
.LBB1_5:
0x14: {  	s14 =	sadd.s32 $0x1, s9  }
0x15: {  	s12 =	sadd.s32 $0x1000, s10;
	s16 =	smov.u32 s10;
	p2 =	sgt.s32 s14, $0xC7  }
0x16: {  	s16 =	smov.u32 @p2 s12  }
0x17: {  	s14 =	simm.s32 @p2 $0x0;
	p2 =	sgt.s32 s16, $0xFFF  }
0x18: {  	s16 =	smov.u32 @p2 s2;
	p2 =	sne.s32 s11, s7  }
.Ltmp1:
0x19: {  	p1 =	slt.u32 s11, $0x2;
	(pc) =	sbr.rel @!p2 .LBB1_6-.Ltmp1, $4  }
0x1a: {  	s15 =	simm.s32 @!p1 $0x2  }
0x1b: {  	s13 =	smov.u32 s10;
	p0 =	por !p0, !p0;
	_ =	swait.ge @!p1 [sflag:s15], $0x2000  }
0x1c: {  	s12 =	smov.u32 s9;
	[sflag:s15] =	ssyncset.done @!p1 $0x0;
	s9 =	smov.u32 s14  }
0x1d: {  	s11 =	sadd.s32 $0x1, s11;
	[sflag:s15] =	ssyncadd.s32 @!p1 $0xFFFFE000;
	s10 =	smov.u32 s16  }
.LBB1_1:
0x1e: {  	p1 =	sge.u32 s11, s5  }
0x1f: {  	s14 =	sand.u32 @!p1 $0x1FFFFFF, s9  }
0x20: {  	s15 =	smulhi.u32 @!p1 $0x147AE15, s14;
	_ =	sdelay $0x1  }
0x21: {  	s15 =	smul.u32 @!p1 $0xC8, s15  }
0x22: {  	s16 =	sxor.u32 @!p1 $0xFFFFFFFF, s11;
	s17 =	smul.u32 @!p1 $0xC80, s10  }
0x23: {  	s31 =	sadd.s32 $0xFFFFFFFF, s11;
	s16 =	sshll.u32 @!p1 s16, $0xD;
	s14 =	ssub.s32 @!p1 s14, s15  }
0x24: {  	s15 =	sand.u32 @!p1 $0x2000, s16;
	s16 =	sadd.s32 @!p1 s6, s17;
	s14 =	sshll.u32 @!p1 s14, $0x4  }
0x25: {  	s17 =	simm.s32 @!p1 $0x6400;
	s14 =	sadd.s32 @!p1 s14, s16;
	s16 =	simm.s32 @!p1 $0x40  }
0x26: {  	[tilespmem:s15], [sflag:$0x1] =	stream.strided.gather @!p1 [hbm4b:s14+s16], $0x2000, s17, s16, $0x38;
	[tilespmem:$0x8080] =	vst v63  }
0x27: {  	p1 =	sge.u32 s31, s5  }
.Ltmp2:
0x28: {  	_ = 	snop;
	(pc) =	sbr.rel @p1 .LBB1_5-.Ltmp2, $1  }
0x29: {  	_ =	sdelay $0x3  }
0x2a: {  	s14 =	simm.s32 $0x1  }
0x2b: {  	_ =	swait.ge [sflag:s4], $0x2000;
	s14 =	simm.s32 @!p0 $0x0  }
0x2c: {  	[sflag:s4] =	ssyncset.done $0x0;
	s15 =	sshll.u32 s14, $0xD  }
0x2d: {  	[sflag:s4] =	ssyncadd.s32 $0xFFFFE000;
	s18 =	sor.u32 $0x20, s15  }
0x2e: {  	s14 =	smul.u32 $0x8100, s14;
	v3 =	vld [tilespmem:s18+$0x10]  }
0x2f: {  	s30 =	sand.u32 $0x1, s11;
	v2 =	vld [tilespmem:s18+$0xFFFFFFF0]  }
0x30: {  	s15 =	smul.u32 $0x8100, s30;
	s14 =	sshrl.u32 s14, $0x2;
	v0 =	vld [tilespmem:s18+$0x0]  }
0x31: {  	v1 =	vld [tilespmem:s18+$0xFFFFFFE0];
	s16 =	sor.u32 $0x4000, s14  }
0x32: {  	s31 =	sshrl.u32 s15, $0x2;
	s15 =	sadd.s32 $0x0, s16  }
0x33: {  	s17 =	simm.s32 $0x4;
	s18 =	sadd.s32 $0x40, s18;
	s14 =	sor.u32 $0x4000, s31;
	[tilespmem:s15+$0x1830 ss:$0x81] =	vst.msk $0xffff, v3  }
.LBB1_3:
0x34: {  	v3 =	vld [tilespmem:s18+$0x10];
	p1 =	sne.s32 s17, $0x1FC;
	[tilespmem:s15+$0x810 ss:$0x81] =	vst.msk $0xffff, v2;
	s19 =	smov.u32 s17;
	s17 =	sadd.s32 $0x4, s17  }
.Ltmp3:
0x35: {  	v2 =	vld [tilespmem:s18+$0xFFFFFFF0];
	[tilespmem:s15+$0x1020 ss:$0x81] =	vst.msk $0xffff, v0;
	(pc) =	sbr.rel @p1 .LBB1_3-.Ltmp3, $4  }
0x36: {  	v0 =	vld [tilespmem:s18+$0x0];
	[tilespmem:s15+$0x0 ss:$0x81] =	vst.msk $0xffff, v1  }
0x37: {  	s15 =	sshra.s32 s19, $0x2;
	v1 =	vld [tilespmem:s18+$0xFFFFFFE0]  }
0x38: {  	s15 =	sadd.s32 s15, s16  }
0x39: {  	s18 =	sadd.s32 $0x40, s18;
	[tilespmem:s15+$0x1830 ss:$0x81] =	vst.msk $0xffff, v3  }
.Ltmp4:
0x3a: {  	_ = 	snop;
	(pc) =	sbr.rel .LBB1_4-.Ltmp4, $1  }
0x3b: {  	_ =	sdelay $0x3  }
.LBB1_6:
0x3c: {  	_ =	sfence.sel $0x180000  }
0x3d: {  	s2 =	simm.s32 $0x1;
	[bflag:$0x0] =	sbarrier.arrive $0xFFFF  }
0x3e: {  	s31 =	simm.s32 $0x2;
	[sflag:s2] =	ssyncpa.u1 $0x1  }
0x3f: {  	[sflag:s31] =	ssyncpa.u1 $0x1  }
0x40: {  	p0 =	sne.s32 s0, $0x0;
	_ =	strace $0x9000004A  }
0x41: {  	s0 =	sadd.s32 @!p0 $0x100000, s1;
	[bflag:$0x2] =	sbarrier.arrive $0xFFFF  }
0x42: {  	[sflag:s0] =	ssyncadd.tile.s32 @!p0 $0x1;
	_ =	shalt  }
.Lfunc_end1:
_tile_overlayer_lowered:
.L_overlay_start_2:
0x43: {  	(tag) =	ssettag $0x2  }
0x44: {  	s0 =	rddreg [dreg:$0x0];
	s2 =	stileid.u32  }
0x45: {  	s1 =	rddreg [dreg:$0x1];
	p0 =	sne.s32 s2, $0x0  }
0x46: {  	s3 =	rddreg [dreg:$0x2];
	[bflag:$0x3] =	sbarrier.arrive $0xFFFF;
	s2 =	simm.s32 @!p0 $0x1C01  }
0x47: {  	[timem:s3], [sflag:s2] =	dma.local @!p0 [hbm:s0], s1  }
0x48: {  	s0 =	simm.s32 @!p0 $0x1  }
0x49: {  	_ =	swait.ge @!p0 [sflag:s0], s1  }
0x4a: {  	s1 =	ssub.s32 @!p0 $0x0, s1;
	[sflag:s0] =	ssyncset.done @!p0 $0x0  }
0x4b: {  	[sflag:s0] =	ssyncadd.s32 @!p0 s1  }
0x4c: {  	[bflag:$0x3] =	sbarrier.arrive $0xFFFF  }
0x4d: {  	_ =	shalt  }

</sc_bundles>
